<compile_context>
chip_gen: v7x
topology: tpu7x:2x2x1
jax: 0.10.2.dev20260603
libtpu: 0.0.44.dev20260713+nightly
codegen_flags: <defaults>
</compile_context>

<pallas_src>
import dataclasses

import jax
import jax.numpy as jnp
from jax import lax
from jax.experimental import pallas as pl
from jax.experimental.pallas import tpu as pltpu
from jax.experimental.pallas import tpu_sc as plsc

N = 10000
E = 320000
D = 128
NC = 2
NS = 16
NW = NC * NS
K = 125
NB = E // NW // K
EPT = E // NW
KC = 104
NBC = 100
EPTP = NBC * KC
NPAD = EPTP - EPT
RA = 624
TAIL = N - NS * RA
G80 = 80
NP = G80 * D

R = 2048
GRID = 5
GPB = R // D

_f32 = jnp.float32


def _sc_mesh():
    return plsc.VectorSubcoreMesh(core_axis_name="c", subcore_axis_name="s")


def _deg_body(dst_hbm, iota_hbm, zeros_hbm, deg_hbm, dst_v, iota_v, hist_v,
              acc_sh):
    c = lax.axis_index("c")
    s = lax.axis_index("s")
    wid = c * NS + s
    pltpu.sync_copy(zeros_hbm, hist_v)

    @pl.when(s == 0)
    def _():
        pltpu.sync_copy(zeros_hbm, acc_sh)

    pltpu.sync_copy(iota_hbm, iota_v)
    pltpu.sync_copy(dst_hbm.at[wid], dst_v)
    ones16 = jnp.full((16,), 1.0, _f32)

    @pl.loop(0, EPT // 16)
    def _(i):
        vec = dst_v[pl.ds(i * 16, 16)]
        hi = lax.shift_right_logical(vec, 7)
        lo = lax.bitwise_and(vec, 127)
        plsc.addupdate_scatter(hist_v, [hi, lo], ones16)

    plsc.subcore_barrier()
    pltpu.sync_copy(hist_v, acc_sh.at[iota_v.at[0]], add=True)
    plsc.subcore_barrier()

    @pl.when(s == 0)
    def _():
        pltpu.sync_copy(acc_sh, deg_hbm.at[pl.ds(c * G80, G80)])


def _sc_degree(dst2):
    iota = jnp.arange(G80, dtype=jnp.int32).reshape(1, G80)
    zeros = jnp.zeros((G80, D), _f32)
    kern = pl.kernel(
        _deg_body,
        out_type=jax.ShapeDtypeStruct((NC * G80, D), _f32),
        mesh=_sc_mesh(),
        scratch_types=[
            pltpu.VMEM((EPT,), jnp.int32),
            pltpu.VMEM((1, G80), jnp.int32),
            pltpu.VMEM((G80, D), _f32),
            pltpu.VMEM_SHARED((G80, D), _f32),
        ],
        compiler_params=dataclasses.replace(pltpu.CompilerParams(),
                                            needs_layout_passes=False),
    )
    return kern(dst2, iota, zeros)


def _dinv_block(da_ref, db_ref, ones_ref):
    dv = lax.rsqrt(da_ref[0] + db_ref[0] + 1.0)
    rows = []
    for g in range(GPB):
        rows.append(lax.dot_general(dv[g:g + 1, :], ones_ref[...],
                                    (((0,), (0,)), ((), ())),
                                    precision=lax.Precision.HIGHEST,
                                    preferred_element_type=_f32))
    return jnp.concatenate(rows, axis=0)


def _deg_specs():
    return [pl.BlockSpec((1, GPB, D), lambda i: (0, i, 0)),
            pl.BlockSpec((1, GPB, D), lambda i: (1, i, 0)),
            pl.BlockSpec((1, D), lambda i: (0, 0))]


def _conv_body(y_hbm, src_hbm, dst_hbm, zeros_hbm, s_hbm, src_v, dst_v,
               rows_a, rows_b, sem_a, sem_b, acc_sh):
    c = lax.axis_index("c")
    s = lax.axis_index("s")
    wid = c * NS + s
    pltpu.async_copy(zeros_hbm, acc_sh.at[pl.ds(s * RA, RA)], sem_a)
    pltpu.async_copy(src_hbm.at[wid], src_v, sem_b)
    pltpu.async_copy(dst_hbm.at[wid], dst_v, sem_b)

    @pl.when(s == 0)
    def _():
        pltpu.sync_copy(zeros_hbm.at[pl.ds(0, TAIL)],
                        acc_sh.at[pl.ds(NS * RA, TAIL)])

    pltpu.make_async_copy(zeros_hbm, acc_sh.at[pl.ds(s * RA, RA)],
                          sem_a).wait()
    pltpu.make_async_copy(src_hbm.at[wid], src_v, sem_b).wait()
    pltpu.make_async_copy(dst_hbm.at[wid], dst_v, sem_b).wait()
    plsc.subcore_barrier()

    def _gidx(b):
        return src_v.at[pl.ds(b * KC, KC)]

    pltpu.async_copy(y_hbm.at[_gidx(0)], rows_a, sem_a)

    @pl.loop(0, NBC // 2)
    def _(j):
        b0 = 2 * j
        pltpu.async_copy(y_hbm.at[_gidx(b0 + 1)], rows_b, sem_b)
        pltpu.make_async_copy(y_hbm.at[_gidx(b0)], rows_a, sem_a).wait()
        pltpu.sync_copy(rows_a, acc_sh.at[dst_v.at[b0]], add=True)

        @pl.when(b0 + 2 < NBC)
        def _():
            pltpu.async_copy(y_hbm.at[_gidx(b0 + 2)], rows_a, sem_a)

        pltpu.make_async_copy(y_hbm.at[_gidx(b0 + 1)], rows_b, sem_b).wait()
        pltpu.sync_copy(rows_b, acc_sh.at[dst_v.at[b0 + 1]], add=True)

    plsc.subcore_barrier()
    pltpu.sync_copy(acc_sh.at[pl.ds(s * RA, RA)],
                    s_hbm.at[pl.ds(c * N + s * RA, RA)])

    @pl.when(s == 0)
    def _():
        pltpu.sync_copy(acc_sh.at[pl.ds(NS * RA, TAIL)],
                        s_hbm.at[pl.ds(c * N + NS * RA, TAIL)])


def _sc_conv(y, src3, dst3):
    zeros = jnp.zeros((RA, D), _f32)
    kern = pl.kernel(
        _conv_body,
        out_type=jax.ShapeDtypeStruct((NC * N, D), _f32),
        mesh=_sc_mesh(),
        scratch_types=[
            pltpu.VMEM((EPTP,), jnp.int32),
            pltpu.VMEM((NBC, KC), jnp.int32),
            pltpu.VMEM((KC, D), _f32),
            pltpu.VMEM((KC, D), _f32),
            pltpu.SemaphoreType.DMA,
            pltpu.SemaphoreType.DMA,
            pltpu.VMEM_SHARED((N, D), _f32),
        ],
    )
    return kern(y, src3, dst3, zeros)


def _row_mask(i, val):
    rid = lax.broadcasted_iota(jnp.int32, (R, 1), 0)
    return jnp.where(rid < N - i * R, val, 0.0)


def _mms_body(da_ref, db_ref, ones_ref, x_ref, w_ref, o_ref):
    i = pl.program_id(0)
    d = _dinv_block(da_ref, db_ref, ones_ref)
    xw = jnp.dot(x_ref[...], w_ref[...], preferred_element_type=_f32)
    o_ref[...] = _row_mask(i, xw * d)


def _tc_mmscale(deg3, x, w):
    ones = jnp.ones((1, D), _f32)
    return pl.pallas_call(
        _mms_body,
        grid=(GRID,),
        in_specs=_deg_specs() + [_row_spec(),
                                 pl.BlockSpec((D, D), lambda i: (0, 0))],
        out_specs=_row_spec(),
        out_shape=jax.ShapeDtypeStruct((NP, D), _f32),
    )(deg3, deg3, ones, x, w)


def _part_specs():
    return [pl.BlockSpec((1, R, D), lambda i: (0, i, 0)),
            pl.BlockSpec((1, R, D), lambda i: (1, i, 0))]


def _row_spec():
    return pl.BlockSpec((R, D), lambda i: (i, 0))


def _mid_body(da_ref, db_ref, ones_ref, sa_ref, sb_ref, y_ref, b_ref, w_ref,
              o_ref):
    i = pl.program_id(0)
    d = _dinv_block(da_ref, db_ref, ones_ref)
    h = d * (sa_ref[0] + sb_ref[0] + y_ref[...]) + b_ref[...]
    h = jnp.maximum(h, 0.0)
    o_ref[...] = _row_mask(
        i, d * jnp.dot(h, w_ref[...], preferred_element_type=_f32))


def _tc_mid(deg3, s3, y1, b1, w2):
    ones = jnp.ones((1, D), _f32)
    return pl.pallas_call(
        _mid_body,
        grid=(GRID,),
        in_specs=(_deg_specs() + _part_specs()
                  + [_row_spec(),
                     pl.BlockSpec((1, D), lambda i: (0, 0)),
                     pl.BlockSpec((D, D), lambda i: (0, 0))]),
        out_specs=_row_spec(),
        out_shape=jax.ShapeDtypeStruct((NP, D), _f32),
    )(deg3, deg3, ones, s3, s3, y1, b1, w2)


def _fin_body(da_ref, db_ref, ones_ref, sa_ref, sb_ref, y_ref, b_ref, o_ref):
    d = _dinv_block(da_ref, db_ref, ones_ref)
    o_ref[...] = d * (sa_ref[0] + sb_ref[0] + y_ref[...]) + b_ref[...]


def _tc_fin(deg3, s3, y2, b2):
    ones = jnp.ones((1, D), _f32)
    return pl.pallas_call(
        _fin_body,
        grid=(GRID,),
        in_specs=(_deg_specs() + _part_specs()
                  + [_row_spec(),
                     pl.BlockSpec((1, D), lambda i: (0, 0))]),
        out_specs=_row_spec(),
        out_shape=jax.ShapeDtypeStruct((N, D), _f32),
    )(deg3, deg3, ones, s3, s3, y2, b2)


def kernel(x, edge_index, W1, b1, W2, b2):
    ei = edge_index.astype(jnp.int32)
    src2 = ei[0].reshape(NW, EPT)
    dst2 = ei[1].reshape(NW, EPT)
    pad_src = jnp.broadcast_to(
        N + (jnp.arange(NPAD, dtype=jnp.int32) % (NP - N)), (NW, NPAD))
    pad_dst = jnp.broadcast_to(
        (jnp.arange(NPAD, dtype=jnp.int32) * 25) % N, (NW, NPAD))
    src2p = jnp.concatenate([src2, pad_src], axis=1)
    dst3p = jnp.concatenate([dst2, pad_dst], axis=1).reshape(NW, NBC, KC)
    b1r = b1.reshape(1, D)
    b2r = b2.reshape(1, D)

    deg3 = _sc_degree(dst2).reshape(NC, G80, D)
    y1 = _tc_mmscale(deg3, x, W1)
    s1 = _sc_conv(y1, src2p, dst3p).reshape(NC, N, D)
    y2 = _tc_mid(deg3, s1, y1, b1r, W2)
    s2 = _sc_conv(y2, src2p, dst3p).reshape(NC, N, D)
    return _tc_fin(deg3, s2, y2, b2r)

# --- scband reference (transcript-rebuilt; emitter-appended) ---
"""Pipeline reference for scband-gnnmodel-47115791237149 (READ-ONLY COPY).

The authoritative reference and input builder live on the scoring server;
editing this copy changes nothing except your own understanding.
"""

import jax, jax.numpy as jnp
import numpy as np

N_NODES = 10000
N_EDGES = 320000
D_IN = 128
D_HID = 128
D_OUT = 128

def setup_inputs(seed: int = 0) -> dict:
    key = jax.random.key(seed)
    k1, k2, k3, k4, k5, k6 = jax.random.split(key, 6)
    x = jax.random.normal(k1, (N_NODES, D_IN), dtype=jnp.float32)
    edge_index = jax.random.randint(k2, (2, N_EDGES), 0, N_NODES, dtype=jnp.int64)
    s1 = 1.0 / np.sqrt(D_IN)
    s2 = 1.0 / np.sqrt(D_HID)
    W1 = jax.random.uniform(k3, (D_IN, D_HID), dtype=jnp.float32, minval=-s1, maxval=s1)
    b1 = jnp.zeros((D_HID,), dtype=jnp.float32)
    W2 = jax.random.uniform(k4, (D_HID, D_OUT), dtype=jnp.float32, minval=-s2, maxval=s2)
    b2 = jnp.zeros((D_OUT,), dtype=jnp.float32)
    return {"x": x, "edge_index": edge_index, "W1": W1, "b1": b1, "W2": W2, "b2": b2}

def _gcn_conv(x, edge_index, W, b):
    n = x.shape[0]
    loop = jnp.arange(n, dtype=edge_index.dtype)
    src = jnp.concatenate([edge_index[0], loop])
    dst = jnp.concatenate([edge_index[1], loop])
    deg = jnp.zeros((n,), dtype=x.dtype).at[dst].add(1.0)
    dinv = jnp.where(deg > 0, 1.0 / jnp.sqrt(deg), 0.0)
    norm = dinv[src] * dinv[dst]
    xw = x @ W
    msg = xw[src] * norm[:, None]
    out = jnp.zeros((n, xw.shape[1]), dtype=xw.dtype).at[dst].add(msg)
    return out + b

def reference(x, edge_index, W1, b1, W2, b2):
    h = _gcn_conv(x, edge_index, W1, b1)
    h = jax.nn.relu(h)
    out = _gcn_conv(h, edge_index, W2, b2)
    return out

if __name__ == "__main__":
    import jax
    _d = setup_inputs()
    print(jax.jit(kernel)(*tuple(_d.values())))

</pallas_src>

<mosaic_0001>
#map = affine_map<(d0, d1) -> (0, 0)>
module attributes {stable_mosaic.version = 14 : i64} {
  func.func @_deg_body(%arg0: i32, %arg1: i32, %arg2: memref<32x10000xi32, #tpu.memory_space<hbm>>, %arg3: memref<1x80xi32, #tpu.memory_space<hbm>>, %arg4: memref<80x128xf32, #tpu.memory_space<hbm>>, %arg5: memref<160x128xf32, #tpu.memory_space<hbm>>, %arg6: memref<10000xi32, #tpu.memory_space<vmem>>, %arg7: memref<1x80xi32, #tpu.memory_space<vmem>>, %arg8: memref<80x128xf32, #tpu.memory_space<vmem>>, %arg9: memref<80x128xf32, #tpu.memory_space<vmem_shared>>) attributes {dimension_semantics = [#tpu.dimension_semantics<core_parallel>, #tpu.dimension_semantics<subcore_parallel>], iteration_bounds = array<i64: 2, 16>, scalar_prefetch = 0 : i64, scratch_operands = 4 : i64, tpu.core_type = #tpu.core_type<sc_vector_subcore>, window_params = [{transform_indices = #map}, {transform_indices = #map}, {transform_indices = #map}, {transform_indices = #map}]} {
    %mul3A = arith.constant 16 : i32
    %mul3A_0 = arith.muli %arg0, %mul3A : i32
    %add3A = arith.addi %mul3A_0, %arg1 : i32
    "tpu.region"() ({
      %run_scoped3A_14 = tpu.sem_alloc : memref<!tpu.dma_semaphore, #tpu.memory_space<semaphore_mem>>
      tpu.enqueue_dma source(%arg4 : memref<80x128xf32, #tpu.memory_space<hbm>>) target(%arg8 : memref<80x128xf32, #tpu.memory_space<vmem>>) target_semaphore(%run_scoped3A_14 : memref<!tpu.dma_semaphore, #tpu.memory_space<semaphore_mem>>)
      tpu.wait_dma2 semaphore(%run_scoped3A_14 : memref<!tpu.dma_semaphore, #tpu.memory_space<semaphore_mem>>) src(%arg4 : memref<80x128xf32, #tpu.memory_space<hbm>>) dst(%arg8 : memref<80x128xf32, #tpu.memory_space<vmem>>)
      tpu.yield
    }) : () -> ()
    %eq3A = arith.constant 0 : i32
    %eq3A_1 = arith.cmpi eq, %arg1, %eq3A : i32
    %convert_element_type3A = arith.extui %eq3A_1 : i1 to i32
    %cond3A = arith.constant 0 : i32
    %cond3A_2 = arith.cmpi ne, %convert_element_type3A, %cond3A : i32
    scf.if %cond3A_2 {
      "tpu.region"() ({
        %run_scoped3A_14 = tpu.sem_alloc : memref<!tpu.dma_semaphore, #tpu.memory_space<semaphore_mem>>
        tpu.enqueue_dma source(%arg4 : memref<80x128xf32, #tpu.memory_space<hbm>>) target(%arg9 : memref<80x128xf32, #tpu.memory_space<vmem_shared>>) target_semaphore(%run_scoped3A_14 : memref<!tpu.dma_semaphore, #tpu.memory_space<semaphore_mem>>)
        tpu.wait_dma2 semaphore(%run_scoped3A_14 : memref<!tpu.dma_semaphore, #tpu.memory_space<semaphore_mem>>) src(%arg4 : memref<80x128xf32, #tpu.memory_space<hbm>>) dst(%arg9 : memref<80x128xf32, #tpu.memory_space<vmem_shared>>)
        tpu.yield
      }) : () -> ()
    } else {
    }
    "tpu.region"() ({
      %run_scoped3A_14 = tpu.sem_alloc : memref<!tpu.dma_semaphore, #tpu.memory_space<semaphore_mem>>
      tpu.enqueue_dma source(%arg3 : memref<1x80xi32, #tpu.memory_space<hbm>>) target(%arg7 : memref<1x80xi32, #tpu.memory_space<vmem>>) target_semaphore(%run_scoped3A_14 : memref<!tpu.dma_semaphore, #tpu.memory_space<semaphore_mem>>)
      tpu.wait_dma2 semaphore(%run_scoped3A_14 : memref<!tpu.dma_semaphore, #tpu.memory_space<semaphore_mem>>) src(%arg3 : memref<1x80xi32, #tpu.memory_space<hbm>>) dst(%arg7 : memref<1x80xi32, #tpu.memory_space<vmem>>)
      tpu.yield
    }) : () -> ()
    "tpu.region"() ({
      %run_scoped3A_14 = tpu.sem_alloc : memref<!tpu.dma_semaphore, #tpu.memory_space<semaphore_mem>>
      %dma_start3A = arith.constant 0 : i32
      %dma_start3A_15 = tpu.memref_slice %arg2[%add3A, %dma_start3A] : memref<32x10000xi32, #tpu.memory_space<hbm>> -> memref<1x10000xi32, #tpu.memory_space<hbm>>
      %dma_start3A_16 = tpu.memref_squeeze %dma_start3A_15 : memref<1x10000xi32, #tpu.memory_space<hbm>> -> memref<10000xi32, #tpu.memory_space<hbm>>
      %dma_start3A_17 = arith.constant 0 : i32
      %dma_start3A_18 = tpu.memref_slice %arg2[%add3A, %dma_start3A_17] : memref<32x10000xi32, #tpu.memory_space<hbm>> -> memref<1x10000xi32, #tpu.memory_space<hbm>>
      %dma_start3A_19 = tpu.memref_squeeze %dma_start3A_18 : memref<1x10000xi32, #tpu.memory_space<hbm>> -> memref<10000xi32, #tpu.memory_space<hbm>>
      tpu.enqueue_dma source(%dma_start3A_19 : memref<10000xi32, #tpu.memory_space<hbm>>) target(%arg6 : memref<10000xi32, #tpu.memory_space<vmem>>) target_semaphore(%run_scoped3A_14 : memref<!tpu.dma_semaphore, #tpu.memory_space<semaphore_mem>>)
      %dma_wait3A = arith.constant 0 : i32
      %dma_wait3A_20 = tpu.memref_slice %arg2[%add3A, %dma_wait3A] : memref<32x10000xi32, #tpu.memory_space<hbm>> -> memref<1x10000xi32, #tpu.memory_space<hbm>>
      %dma_wait3A_21 = tpu.memref_squeeze %dma_wait3A_20 : memref<1x10000xi32, #tpu.memory_space<hbm>> -> memref<10000xi32, #tpu.memory_space<hbm>>
      %dma_wait3A_22 = arith.constant 0 : i32
      %dma_wait3A_23 = tpu.memref_slice %arg2[%add3A, %dma_wait3A_22] : memref<32x10000xi32, #tpu.memory_space<hbm>> -> memref<1x10000xi32, #tpu.memory_space<hbm>>
      %dma_wait3A_24 = tpu.memref_squeeze %dma_wait3A_23 : memref<1x10000xi32, #tpu.memory_space<hbm>> -> memref<10000xi32, #tpu.memory_space<hbm>>
      tpu.wait_dma2 semaphore(%run_scoped3A_14 : memref<!tpu.dma_semaphore, #tpu.memory_space<semaphore_mem>>) src(%dma_wait3A_24 : memref<10000xi32, #tpu.memory_space<hbm>>) dst(%arg6 : memref<10000xi32, #tpu.memory_space<vmem>>)
      tpu.yield
    }) : () -> ()
    %broadcast_in_dim3A = arith.constant 1.000000e+00 : f32
    %broadcast_in_dim3A_3 = vector.broadcast %broadcast_in_dim3A : f32 to vector<16xf32>
    %scan3A = arith.constant 0 : i32
    %scan3A_4 = arith.constant 625 : i32
    %scan3A_5 = arith.addi %scan3A, %scan3A_4 : i32
    %scan3A_6 = arith.constant 1 : i32
    scf.for %scan3A_14 = %scan3A to %scan3A_5 step %scan3A_6  : i32 {
      %mul3A_15 = arith.constant 1 : i32
      %mul3A_16 = arith.muli %scan3A_14, %mul3A_15 : i32
      %add3A_17 = arith.constant 0 : i32
      %add3A_18 = arith.addi %add3A_17, %mul3A_16 : i32
      %mul3A_19 = arith.constant 16 : i32
      %mul3A_20 = arith.muli %add3A_18, %mul3A_19 : i32
      %get3A = arith.index_cast %mul3A_20 : i32 to index
      %get3A_21 = tpu.vector_load %arg6[%get3A] {strides = array<i32>} : memref<10000xi32, #tpu.memory_space<vmem>>, vector<16xi32>,
      %shift_right_logical3A = arith.constant 7 : i32
      %shift_right_logical3A_22 = vector.broadcast %shift_right_logical3A : i32 to vector<16xi32>
      %shift_right_logical3A_23 = arith.shrui %get3A_21, %shift_right_logical3A_22 : vector<16xi32>
      %and3A = arith.constant 127 : i32
      %and3A_24 = vector.broadcast %and3A : i32 to vector<16xi32>
      %and3A_25 = arith.andi %get3A_21, %and3A_24 : vector<16xi32>
      tpu.vector_store_idx %arg8[%shift_right_logical3A_23, %and3A_25], %broadcast_in_dim3A_3 {add = true} : memref<80x128xf32, #tpu.memory_space<vmem>>[vector<16xi32>, vector<16xi32>], vector<16xf32>,
    }
    %scan3A_7 = arith.constant 625 : i32
    %barrier3A = arith.constant 0 : index
    tpu.barrier barrier_id(%barrier3A)
    %run_scoped3A = arith.constant 0 : i32
    "tpu.region"() ({
      %run_scoped3A_14 = tpu.sem_alloc : memref<!tpu.dma_semaphore, #tpu.memory_space<semaphore_mem>>
      %dma_start3A = arith.constant 0 : i32
      %dma_start3A_15 = tpu.memref_slice %arg7[%run_scoped3A, %dma_start3A] : memref<1x80xi32, #tpu.memory_space<vmem>> -> memref<1x80xi32, #tpu.memory_space<vmem>>
      %dma_start3A_16 = tpu.memref_squeeze %dma_start3A_15 : memref<1x80xi32, #tpu.memory_space<vmem>> -> memref<80xi32, #tpu.memory_space<vmem>>
      %dma_start3A_17 = arith.constant 0 : i32
      %dma_start3A_18 = arith.constant 0 : i32
      %dma_start3A_19 = tpu.memref_slice %arg9[%dma_start3A_17, %dma_start3A_18] : memref<80x128xf32, #tpu.memory_space<vmem_shared>> -> memref<80x128xf32, #tpu.memory_space<vmem_shared>>
      tpu.enqueue_indirect_dma source(%arg8 : memref<80x128xf32, #tpu.memory_space<vmem>>) target(%dma_start3A_19 : memref<80x128xf32, #tpu.memory_space<vmem_shared>>) offsets(%dma_start3A_16 : memref<80xi32, #tpu.memory_space<vmem>>) semaphore(%run_scoped3A_14 : memref<!tpu.dma_semaphore, #tpu.memory_space<semaphore_mem>>) {add = true}
      %dma_wait3A = arith.constant 0 : i32
      %dma_wait3A_20 = tpu.memref_slice %arg7[%run_scoped3A, %dma_wait3A] : memref<1x80xi32, #tpu.memory_space<vmem>> -> memref<1x80xi32, #tpu.memory_space<vmem>>
      %dma_wait3A_21 = tpu.memref_squeeze %dma_wait3A_20 : memref<1x80xi32, #tpu.memory_space<vmem>> -> memref<80xi32, #tpu.memory_space<vmem>>
      %dma_wait3A_22 = arith.constant 0 : i32
      %dma_wait3A_23 = arith.constant 0 : i32
      %dma_wait3A_24 = tpu.memref_slice %arg9[%dma_wait3A_22, %dma_wait3A_23] : memref<80x128xf32, #tpu.memory_space<vmem_shared>> -> memref<80x128xf32, #tpu.memory_space<vmem_shared>>
      tpu.wait_indirect_dma semaphore(%run_scoped3A_14 : memref<!tpu.dma_semaphore, #tpu.memory_space<semaphore_mem>>) src(%arg8 : memref<80x128xf32, #tpu.memory_space<vmem>>) dst(%dma_wait3A_24 : memref<80x128xf32, #tpu.memory_space<vmem_shared>>)
      tpu.yield
    }) : () -> ()
    %barrier3A_8 = arith.constant 0 : index
    tpu.barrier barrier_id(%barrier3A_8)
    %eq3A_9 = arith.constant 0 : i32
    %eq3A_10 = arith.cmpi eq, %arg1, %eq3A_9 : i32
    %convert_element_type3A_11 = arith.extui %eq3A_10 : i1 to i32
    %cond3A_12 = arith.constant 0 : i32
    %cond3A_13 = arith.cmpi ne, %convert_element_type3A_11, %cond3A_12 : i32
    scf.if %cond3A_13 {
      %mul3A_14 = arith.constant 80 : i32
      %mul3A_15 = arith.muli %arg0, %mul3A_14 : i32
      "tpu.region"() ({
        %run_scoped3A_16 = tpu.sem_alloc : memref<!tpu.dma_semaphore, #tpu.memory_space<semaphore_mem>>
        %dma_start3A = arith.constant 0 : i32
        %dma_start3A_17 = tpu.memref_slice %arg5[%mul3A_15, %dma_start3A] : memref<160x128xf32, #tpu.memory_space<hbm>> -> memref<80x128xf32, #tpu.memory_space<hbm>>
        tpu.enqueue_dma source(%arg9 : memref<80x128xf32, #tpu.memory_space<vmem_shared>>) target(%dma_start3A_17 : memref<80x128xf32, #tpu.memory_space<hbm>>) target_semaphore(%run_scoped3A_16 : memref<!tpu.dma_semaphore, #tpu.memory_space<semaphore_mem>>)
        %dma_wait3A = arith.constant 0 : i32
        %dma_wait3A_18 = tpu.memref_slice %arg5[%mul3A_15, %dma_wait3A] : memref<160x128xf32, #tpu.memory_space<hbm>> -> memref<80x128xf32, #tpu.memory_space<hbm>>
        tpu.wait_dma2 semaphore(%run_scoped3A_16 : memref<!tpu.dma_semaphore, #tpu.memory_space<semaphore_mem>>) src(%arg9 : memref<80x128xf32, #tpu.memory_space<vmem_shared>>) dst(%dma_wait3A_18 : memref<80x128xf32, #tpu.memory_space<hbm>>)
        tpu.yield
      }) : () -> ()
    } else {
    }
    return
  }
}

#map = affine_map<(d0, d1) -> (0, 0)>
#map1 = affine_map<(d0, d1) -> (0, 0, 0)>
module attributes {stable_mosaic.version = 14 : i64} {
  func.func @_conv_body(%arg0: i32, %arg1: i32, %arg2: memref<10240x128xf32, #tpu.memory_space<hbm>>, %arg3: memref<32x10400xi32, #tpu.memory_space<hbm>>, %arg4: memref<32x100x104xi32, #tpu.memory_space<hbm>>, %arg5: memref<624x128xf32, #tpu.memory_space<hbm>>, %arg6: memref<20000x128xf32, #tpu.memory_space<hbm>>, %arg7: memref<10400xi32, #tpu.memory_space<vmem>>, %arg8: memref<100x104xi32, #tpu.memory_space<vmem>>, %arg9: memref<104x128xf32, #tpu.memory_space<vmem>>, %arg10: memref<104x128xf32, #tpu.memory_space<vmem>>, %arg11: memref<!tpu.dma_semaphore, #tpu.memory_space<semaphore_mem>>, %arg12: memref<!tpu.dma_semaphore, #tpu.memory_space<semaphore_mem>>, %arg13: memref<10000x128xf32, #tpu.memory_space<vmem_shared>>) attributes {dimension_semantics = [#tpu.dimension_semantics<core_parallel>, #tpu.dimension_semantics<subcore_parallel>], iteration_bounds = array<i64: 2, 16>, scalar_prefetch = 0 : i64, scratch_operands = 7 : i64, tpu.core_type = #tpu.core_type<sc_vector_subcore>, window_params = [{transform_indices = #map}, {transform_indices = #map}, {transform_indices = #map1}, {transform_indices = #map}, {transform_indices = #map}]} {
    %mul3A = arith.constant 16 : i32
    %mul3A_0 = arith.muli %arg0, %mul3A : i32
    %add3A = arith.addi %mul3A_0, %arg1 : i32
    %mul3A_1 = arith.constant 624 : i32
    %mul3A_2 = arith.muli %arg1, %mul3A_1 : i32
    %dma_start3A = arith.constant 0 : i32
    %dma_start3A_3 = tpu.memref_slice %arg13[%mul3A_2, %dma_start3A] : memref<10000x128xf32, #tpu.memory_space<vmem_shared>> -> memref<624x128xf32, #tpu.memory_space<vmem_shared>>
    tpu.enqueue_dma source(%arg5 : memref<624x128xf32, #tpu.memory_space<hbm>>) target(%dma_start3A_3 : memref<624x128xf32, #tpu.memory_space<vmem_shared>>) target_semaphore(%arg11 : memref<!tpu.dma_semaphore, #tpu.memory_space<semaphore_mem>>)
    %dma_start3A_4 = arith.constant 0 : i32
    %dma_start3A_5 = tpu.memref_slice %arg3[%add3A, %dma_start3A_4] : memref<32x10400xi32, #tpu.memory_space<hbm>> -> memref<1x10400xi32, #tpu.memory_space<hbm>>
    %dma_start3A_6 = tpu.memref_squeeze %dma_start3A_5 : memref<1x10400xi32, #tpu.memory_space<hbm>> -> memref<10400xi32, #tpu.memory_space<hbm>>
    %dma_start3A_7 = arith.constant 0 : i32
    %dma_start3A_8 = tpu.memref_slice %arg3[%add3A, %dma_start3A_7] : memref<32x10400xi32, #tpu.memory_space<hbm>> -> memref<1x10400xi32, #tpu.memory_space<hbm>>
    %dma_start3A_9 = tpu.memref_squeeze %dma_start3A_8 : memref<1x10400xi32, #tpu.memory_space<hbm>> -> memref<10400xi32, #tpu.memory_space<hbm>>
    tpu.enqueue_dma source(%dma_start3A_9 : memref<10400xi32, #tpu.memory_space<hbm>>) target(%arg7 : memref<10400xi32, #tpu.memory_space<vmem>>) target_semaphore(%arg12 : memref<!tpu.dma_semaphore, #tpu.memory_space<semaphore_mem>>)
    %dma_start3A_10 = arith.constant 0 : i32
    %dma_start3A_11 = arith.constant 0 : i32
    %dma_start3A_12 = tpu.memref_slice %arg4[%add3A, %dma_start3A_10, %dma_start3A_11] : memref<32x100x104xi32, #tpu.memory_space<hbm>> -> memref<1x100x104xi32, #tpu.memory_space<hbm>>
    %dma_start3A_13 = tpu.memref_squeeze %dma_start3A_12 : memref<1x100x104xi32, #tpu.memory_space<hbm>> -> memref<100x104xi32, #tpu.memory_space<hbm>>
    %dma_start3A_14 = arith.constant 0 : i32
    %dma_start3A_15 = arith.constant 0 : i32
    %dma_start3A_16 = tpu.memref_slice %arg4[%add3A, %dma_start3A_14, %dma_start3A_15] : memref<32x100x104xi32, #tpu.memory_space<hbm>> -> memref<1x100x104xi32, #tpu.memory_space<hbm>>
    %dma_start3A_17 = tpu.memref_squeeze %dma_start3A_16 : memref<1x100x104xi32, #tpu.memory_space<hbm>> -> memref<100x104xi32, #tpu.memory_space<hbm>>
    tpu.enqueue_dma source(%dma_start3A_17 : memref<100x104xi32, #tpu.memory_space<hbm>>) target(%arg8 : memref<100x104xi32, #tpu.memory_space<vmem>>) target_semaphore(%arg12 : memref<!tpu.dma_semaphore, #tpu.memory_space<semaphore_mem>>)
    %eq3A = arith.constant 0 : i32
    %eq3A_18 = arith.cmpi eq, %arg1, %eq3A : i32
    %convert_element_type3A = arith.extui %eq3A_18 : i1 to i32
    %cond3A = arith.constant 0 : i32
    %cond3A_19 = arith.cmpi ne, %convert_element_type3A, %cond3A : i32
    scf.if %cond3A_19 {
      "tpu.region"() ({
        %run_scoped3A = tpu.sem_alloc : memref<!tpu.dma_semaphore, #tpu.memory_space<semaphore_mem>>
        %dma_start3A_59 = arith.constant 9984 : i32
        %dma_start3A_60 = arith.constant 0 : i32
        %dma_start3A_61 = tpu.memref_slice %arg13[%dma_start3A_59, %dma_start3A_60] : memref<10000x128xf32, #tpu.memory_space<vmem_shared>> -> memref<16x128xf32, #tpu.memory_space<vmem_shared>>
        %dma_start3A_62 = arith.constant 0 : i32
        %dma_start3A_63 = arith.constant 0 : i32
        %dma_start3A_64 = tpu.memref_slice %arg5[%dma_start3A_62, %dma_start3A_63] : memref<624x128xf32, #tpu.memory_space<hbm>> -> memref<16x128xf32, #tpu.memory_space<hbm>>
        tpu.enqueue_dma source(%dma_start3A_64 : memref<16x128xf32, #tpu.memory_space<hbm>>) target(%dma_start3A_61 : memref<16x128xf32, #tpu.memory_space<vmem_shared>>) target_semaphore(%run_scoped3A : memref<!tpu.dma_semaphore, #tpu.memory_space<semaphore_mem>>)
        %dma_wait3A_65 = arith.constant 9984 : i32
        %dma_wait3A_66 = arith.constant 0 : i32
        %dma_wait3A_67 = tpu.memref_slice %arg13[%dma_wait3A_65, %dma_wait3A_66] : memref<10000x128xf32, #tpu.memory_space<vmem_shared>> -> memref<16x128xf32, #tpu.memory_space<vmem_shared>>
        %dma_wait3A_68 = arith.constant 0 : i32
        %dma_wait3A_69 = arith.constant 0 : i32
        %dma_wait3A_70 = tpu.memref_slice %arg5[%dma_wait3A_68, %dma_wait3A_69] : memref<624x128xf32, #tpu.memory_space<hbm>> -> memref<16x128xf32, #tpu.memory_space<hbm>>
        tpu.wait_dma2 semaphore(%run_scoped3A : memref<!tpu.dma_semaphore, #tpu.memory_space<semaphore_mem>>) src(%dma_wait3A_70 : memref<16x128xf32, #tpu.memory_space<hbm>>) dst(%dma_wait3A_67 : memref<16x128xf32, #tpu.memory_space<vmem_shared>>)
        tpu.yield
      }) : () -> ()
    } else {
    }
    %mul3A_20 = arith.constant 624 : i32
    %mul3A_21 = arith.muli %arg1, %mul3A_20 : i32
    %dma_wait3A = arith.constant 0 : i32
    %dma_wait3A_22 = tpu.memref_slice %arg13[%mul3A_21, %dma_wait3A] : memref<10000x128xf32, #tpu.memory_space<vmem_shared>> -> memref<624x128xf32, #tpu.memory_space<vmem_shared>>
    tpu.wait_dma2 semaphore(%arg11 : memref<!tpu.dma_semaphore, #tpu.memory_space<semaphore_mem>>) src(%arg5 : memref<624x128xf32, #tpu.memory_space<hbm>>) dst(%dma_wait3A_22 : memref<624x128xf32, #tpu.memory_space<vmem_shared>>)
    %dma_wait3A_23 = arith.constant 0 : i32
    %dma_wait3A_24 = tpu.memref_slice %arg3[%add3A, %dma_wait3A_23] : memref<32x10400xi32, #tpu.memory_space<hbm>> -> memref<1x10400xi32, #tpu.memory_space<hbm>>
    %dma_wait3A_25 = tpu.memref_squeeze %dma_wait3A_24 : memref<1x10400xi32, #tpu.memory_space<hbm>> -> memref<10400xi32, #tpu.memory_space<hbm>>
    %dma_wait3A_26 = arith.constant 0 : i32
    %dma_wait3A_27 = tpu.memref_slice %arg3[%add3A, %dma_wait3A_26] : memref<32x10400xi32, #tpu.memory_space<hbm>> -> memref<1x10400xi32, #tpu.memory_space<hbm>>
    %dma_wait3A_28 = tpu.memref_squeeze %dma_wait3A_27 : memref<1x10400xi32, #tpu.memory_space<hbm>> -> memref<10400xi32, #tpu.memory_space<hbm>>
    tpu.wait_dma2 semaphore(%arg12 : memref<!tpu.dma_semaphore, #tpu.memory_space<semaphore_mem>>) src(%dma_wait3A_28 : memref<10400xi32, #tpu.memory_space<hbm>>) dst(%arg7 : memref<10400xi32, #tpu.memory_space<vmem>>)
    %dma_wait3A_29 = arith.constant 0 : i32
    %dma_wait3A_30 = arith.constant 0 : i32
    %dma_wait3A_31 = tpu.memref_slice %arg4[%add3A, %dma_wait3A_29, %dma_wait3A_30] : memref<32x100x104xi32, #tpu.memory_space<hbm>> -> memref<1x100x104xi32, #tpu.memory_space<hbm>>
    %dma_wait3A_32 = tpu.memref_squeeze %dma_wait3A_31 : memref<1x100x104xi32, #tpu.memory_space<hbm>> -> memref<100x104xi32, #tpu.memory_space<hbm>>
    %dma_wait3A_33 = arith.constant 0 : i32
    %dma_wait3A_34 = arith.constant 0 : i32
    %dma_wait3A_35 = tpu.memref_slice %arg4[%add3A, %dma_wait3A_33, %dma_wait3A_34] : memref<32x100x104xi32, #tpu.memory_space<hbm>> -> memref<1x100x104xi32, #tpu.memory_space<hbm>>
    %dma_wait3A_36 = tpu.memref_squeeze %dma_wait3A_35 : memref<1x100x104xi32, #tpu.memory_space<hbm>> -> memref<100x104xi32, #tpu.memory_space<hbm>>
    tpu.wait_dma2 semaphore(%arg12 : memref<!tpu.dma_semaphore, #tpu.memory_space<semaphore_mem>>) src(%dma_wait3A_36 : memref<100x104xi32, #tpu.memory_space<hbm>>) dst(%arg8 : memref<100x104xi32, #tpu.memory_space<vmem>>)
    %barrier3A = arith.constant 0 : index
    tpu.barrier barrier_id(%barrier3A)
    %dma_start3A_37 = arith.constant 0 : i32
    %dma_start3A_38 = tpu.memref_slice %arg7[%dma_start3A_37] : memref<10400xi32, #tpu.memory_space<vmem>> -> memref<104xi32, #tpu.memory_space<vmem>>
    %dma_start3A_39 = arith.constant 0 : i32
    %dma_start3A_40 = arith.constant 0 : i32
    %dma_start3A_41 = tpu.memref_slice %arg2[%dma_start3A_39, %dma_start3A_40] : memref<10240x128xf32, #tpu.memory_space<hbm>> -> memref<10240x128xf32, #tpu.memory_space<hbm>>
    tpu.enqueue_indirect_dma source(%dma_start3A_41 : memref<10240x128xf32, #tpu.memory_space<hbm>>) target(%arg9 : memref<104x128xf32, #tpu.memory_space<vmem>>) offsets(%dma_start3A_38 : memref<104xi32, #tpu.memory_space<vmem>>) semaphore(%arg11 : memref<!tpu.dma_semaphore, #tpu.memory_space<semaphore_mem>>)
    %scan3A = arith.constant 0 : i32
    %scan3A_42 = arith.constant 50 : i32
    %scan3A_43 = arith.addi %scan3A, %scan3A_42 : i32
    %scan3A_44 = arith.constant 1 : i32
    scf.for %scan3A_59 = %scan3A to %scan3A_43 step %scan3A_44  : i32 {
      %mul3A_60 = arith.constant 1 : i32
      %mul3A_61 = arith.muli %scan3A_59, %mul3A_60 : i32
      %add3A_62 = arith.constant 0 : i32
      %add3A_63 = arith.addi %add3A_62, %mul3A_61 : i32
      %mul3A_64 = arith.constant 2 : i32
      %mul3A_65 = arith.muli %mul3A_64, %add3A_63 : i32
      %add3A_66 = arith.constant 1 : i32
      %add3A_67 = arith.addi %mul3A_65, %add3A_66 : i32
      %mul3A_68 = arith.constant 104 : i32
      %mul3A_69 = arith.muli %add3A_67, %mul3A_68 : i32
      %dma_start3A_70 = tpu.memref_slice %arg7[%mul3A_69] : memref<10400xi32, #tpu.memory_space<vmem>> -> memref<104xi32, #tpu.memory_space<vmem>>
      %dma_start3A_71 = arith.constant 0 : i32
      %dma_start3A_72 = arith.constant 0 : i32
      %dma_start3A_73 = tpu.memref_slice %arg2[%dma_start3A_71, %dma_start3A_72] : memref<10240x128xf32, #tpu.memory_space<hbm>> -> memref<10240x128xf32, #tpu.memory_space<hbm>>
      tpu.enqueue_indirect_dma source(%dma_start3A_73 : memref<10240x128xf32, #tpu.memory_space<hbm>>) target(%arg10 : memref<104x128xf32, #tpu.memory_space<vmem>>) offsets(%dma_start3A_70 : memref<104xi32, #tpu.memory_space<vmem>>) semaphore(%arg12 : memref<!tpu.dma_semaphore, #tpu.memory_space<semaphore_mem>>)
      %mul3A_74 = arith.constant 104 : i32
      %mul3A_75 = arith.muli %mul3A_65, %mul3A_74 : i32
      %dma_wait3A_76 = tpu.memref_slice %arg7[%mul3A_75] : memref<10400xi32, #tpu.memory_space<vmem>> -> memref<104xi32, #tpu.memory_space<vmem>>
      %dma_wait3A_77 = arith.constant 0 : i32
      %dma_wait3A_78 = arith.constant 0 : i32
      %dma_wait3A_79 = tpu.memref_slice %arg2[%dma_wait3A_77, %dma_wait3A_78] : memref<10240x128xf32, #tpu.memory_space<hbm>> -> memref<10240x128xf32, #tpu.memory_space<hbm>>
      tpu.wait_indirect_dma semaphore(%arg11 : memref<!tpu.dma_semaphore, #tpu.memory_space<semaphore_mem>>) src(%dma_wait3A_79 : memref<10240x128xf32, #tpu.memory_space<hbm>>) dst(%arg9 : memref<104x128xf32, #tpu.memory_space<vmem>>)
      "tpu.region"() ({
        %run_scoped3A = tpu.sem_alloc : memref<!tpu.dma_semaphore, #tpu.memory_space<semaphore_mem>>
        %dma_start3A_96 = arith.constant 0 : i32
        %dma_start3A_97 = tpu.memref_slice %arg8[%mul3A_65, %dma_start3A_96] : memref<100x104xi32, #tpu.memory_space<vmem>> -> memref<1x104xi32, #tpu.memory_space<vmem>>
        %dma_start3A_98 = tpu.memref_squeeze %dma_start3A_97 : memref<1x104xi32, #tpu.memory_space<vmem>> -> memref<104xi32, #tpu.memory_space<vmem>>
        %dma_start3A_99 = arith.constant 0 : i32
        %dma_start3A_100 = arith.constant 0 : i32
        %dma_start3A_101 = tpu.memref_slice %arg13[%dma_start3A_99, %dma_start3A_100] : memref<10000x128xf32, #tpu.memory_space<vmem_shared>> -> memref<10000x128xf32, #tpu.memory_space<vmem_shared>>
        tpu.enqueue_indirect_dma source(%arg9 : memref<104x128xf32, #tpu.memory_space<vmem>>) target(%dma_start3A_101 : memref<10000x128xf32, #tpu.memory_space<vmem_shared>>) offsets(%dma_start3A_98 : memref<104xi32, #tpu.memory_space<vmem>>) semaphore(%run_scoped3A : memref<!tpu.dma_semaphore, #tpu.memory_space<semaphore_mem>>) {add = true}
        %dma_wait3A_102 = arith.constant 0 : i32
        %dma_wait3A_103 = tpu.memref_slice %arg8[%mul3A_65, %dma_wait3A_102] : memref<100x104xi32, #tpu.memory_space<vmem>> -> memref<1x104xi32, #tpu.memory_space<vmem>>
        %dma_wait3A_104 = tpu.memref_squeeze %dma_wait3A_103 : memref<1x104xi32, #tpu.memory_space<vmem>> -> memref<104xi32, #tpu.memory_space<vmem>>
        %dma_wait3A_105 = arith.constant 0 : i32
        %dma_wait3A_106 = arith.constant 0 : i32
        %dma_wait3A_107 = tpu.memref_slice %arg13[%dma_wait3A_105, %dma_wait3A_106] : memref<10000x128xf32, #tpu.memory_space<vmem_shared>> -> memref<10000x128xf32, #tpu.memory_space<vmem_shared>>
        tpu.wait_indirect_dma semaphore(%run_scoped3A : memref<!tpu.dma_semaphore, #tpu.memory_space<semaphore_mem>>) src(%arg9 : memref<104x128xf32, #tpu.memory_space<vmem>>) dst(%dma_wait3A_107 : memref<10000x128xf32, #tpu.memory_space<vmem_shared>>)
        tpu.yield
      }) : () -> ()
      %add3A_80 = arith.constant 2 : i32
      %add3A_81 = arith.addi %mul3A_65, %add3A_80 : i32
      %lt3A = arith.constant 100 : i32
      %lt3A_82 = arith.cmpi slt, %add3A_81, %lt3A : i32
      %convert_element_type3A_83 = arith.extui %lt3A_82 : i1 to i32
      %cond3A_84 = arith.constant 0 : i32
      %cond3A_85 = arith.cmpi ne, %convert_element_type3A_83, %cond3A_84 : i32
      scf.if %cond3A_85 {
        %add3A_96 = arith.constant 2 : i32
        %add3A_97 = arith.addi %mul3A_65, %add3A_96 : i32
        %mul3A_98 = arith.constant 104 : i32
        %mul3A_99 = arith.muli %add3A_97, %mul3A_98 : i32
        %dma_start3A_100 = tpu.memref_slice %arg7[%mul3A_99] : memref<10400xi32, #tpu.memory_space<vmem>> -> memref<104xi32, #tpu.memory_space<vmem>>
        %dma_start3A_101 = arith.constant 0 : i32
        %dma_start3A_102 = arith.constant 0 : i32
        %dma_start3A_103 = tpu.memref_slice %arg2[%dma_start3A_101, %dma_start3A_102] : memref<10240x128xf32, #tpu.memory_space<hbm>> -> memref<10240x128xf32, #tpu.memory_space<hbm>>
        tpu.enqueue_indirect_dma source(%dma_start3A_103 : memref<10240x128xf32, #tpu.memory_space<hbm>>) target(%arg9 : memref<104x128xf32, #tpu.memory_space<vmem>>) offsets(%dma_start3A_100 : memref<104xi32, #tpu.memory_space<vmem>>) semaphore(%arg11 : memref<!tpu.dma_semaphore, #tpu.memory_space<semaphore_mem>>)
      } else {
      }
      %add3A_86 = arith.constant 1 : i32
      %add3A_87 = arith.addi %mul3A_65, %add3A_86 : i32
      %mul3A_88 = arith.constant 104 : i32
      %mul3A_89 = arith.muli %add3A_87, %mul3A_88 : i32
      %dma_wait3A_90 = tpu.memref_slice %arg7[%mul3A_89] : memref<10400xi32, #tpu.memory_space<vmem>> -> memref<104xi32, #tpu.memory_space<vmem>>
      %dma_wait3A_91 = arith.constant 0 : i32
      %dma_wait3A_92 = arith.constant 0 : i32
      %dma_wait3A_93 = tpu.memref_slice %arg2[%dma_wait3A_91, %dma_wait3A_92] : memref<10240x128xf32, #tpu.memory_space<hbm>> -> memref<10240x128xf32, #tpu.memory_space<hbm>>
      tpu.wait_indirect_dma semaphore(%arg12 : memref<!tpu.dma_semaphore, #tpu.memory_space<semaphore_mem>>) src(%dma_wait3A_93 : memref<10240x128xf32, #tpu.memory_space<hbm>>) dst(%arg10 : memref<104x128xf32, #tpu.memory_space<vmem>>)
      %add3A_94 = arith.constant 1 : i32
      %add3A_95 = arith.addi %mul3A_65, %add3A_94 : i32
      "tpu.region"() ({
        %run_scoped3A = tpu.sem_alloc : memref<!tpu.dma_semaphore, #tpu.memory_space<semaphore_mem>>
        %dma_start3A_96 = arith.constant 0 : i32
        %dma_start3A_97 = tpu.memref_slice %arg8[%add3A_95, %dma_start3A_96] : memref<100x104xi32, #tpu.memory_space<vmem>> -> memref<1x104xi32, #tpu.memory_space<vmem>>
        %dma_start3A_98 = tpu.memref_squeeze %dma_start3A_97 : memref<1x104xi32, #tpu.memory_space<vmem>> -> memref<104xi32, #tpu.memory_space<vmem>>
        %dma_start3A_99 = arith.constant 0 : i32
        %dma_start3A_100 = arith.constant 0 : i32
        %dma_start3A_101 = tpu.memref_slice %arg13[%dma_start3A_99, %dma_start3A_100] : memref<10000x128xf32, #tpu.memory_space<vmem_shared>> -> memref<10000x128xf32, #tpu.memory_space<vmem_shared>>
        tpu.enqueue_indirect_dma source(%arg10 : memref<104x128xf32, #tpu.memory_space<vmem>>) target(%dma_start3A_101 : memref<10000x128xf32, #tpu.memory_space<vmem_shared>>) offsets(%dma_start3A_98 : memref<104xi32, #tpu.memory_space<vmem>>) semaphore(%run_scoped3A : memref<!tpu.dma_semaphore, #tpu.memory_space<semaphore_mem>>) {add = true}
        %dma_wait3A_102 = arith.constant 0 : i32
        %dma_wait3A_103 = tpu.memref_slice %arg8[%add3A_95, %dma_wait3A_102] : memref<100x104xi32, #tpu.memory_space<vmem>> -> memref<1x104xi32, #tpu.memory_space<vmem>>
        %dma_wait3A_104 = tpu.memref_squeeze %dma_wait3A_103 : memref<1x104xi32, #tpu.memory_space<vmem>> -> memref<104xi32, #tpu.memory_space<vmem>>
        %dma_wait3A_105 = arith.constant 0 : i32
        %dma_wait3A_106 = arith.constant 0 : i32
        %dma_wait3A_107 = tpu.memref_slice %arg13[%dma_wait3A_105, %dma_wait3A_106] : memref<10000x128xf32, #tpu.memory_space<vmem_shared>> -> memref<10000x128xf32, #tpu.memory_space<vmem_shared>>
        tpu.wait_indirect_dma semaphore(%run_scoped3A : memref<!tpu.dma_semaphore, #tpu.memory_space<semaphore_mem>>) src(%arg10 : memref<104x128xf32, #tpu.memory_space<vmem>>) dst(%dma_wait3A_107 : memref<10000x128xf32, #tpu.memory_space<vmem_shared>>)
        tpu.yield
      }) : () -> ()
    }
    %scan3A_45 = arith.constant 50 : i32
    %barrier3A_46 = arith.constant 0 : index
    tpu.barrier barrier_id(%barrier3A_46)
    %mul3A_47 = arith.constant 624 : i32
    %mul3A_48 = arith.muli %arg1, %mul3A_47 : i32
    %mul3A_49 = arith.constant 10000 : i32
    %mul3A_50 = arith.muli %arg0, %mul3A_49 : i32
    %mul3A_51 = arith.constant 624 : i32
    %mul3A_52 = arith.muli %arg1, %mul3A_51 : i32
    %add3A_53 = arith.addi %mul3A_50, %mul3A_52 : i32
    "tpu.region"() ({
      %run_scoped3A = tpu.sem_alloc : memref<!tpu.dma_semaphore, #tpu.memory_space<semaphore_mem>>
      %dma_start3A_59 = arith.constant 0 : i32
      %dma_start3A_60 = tpu.memref_slice %arg6[%add3A_53, %dma_start3A_59] : memref<20000x128xf32, #tpu.memory_space<hbm>> -> memref<624x128xf32, #tpu.memory_space<hbm>>
      %dma_start3A_61 = arith.constant 0 : i32
      %dma_start3A_62 = tpu.memref_slice %arg13[%mul3A_48, %dma_start3A_61] : memref<10000x128xf32, #tpu.memory_space<vmem_shared>> -> memref<624x128xf32, #tpu.memory_space<vmem_shared>>
      tpu.enqueue_dma source(%dma_start3A_62 : memref<624x128xf32, #tpu.memory_space<vmem_shared>>) target(%dma_start3A_60 : memref<624x128xf32, #tpu.memory_space<hbm>>) target_semaphore(%run_scoped3A : memref<!tpu.dma_semaphore, #tpu.memory_space<semaphore_mem>>)
      %dma_wait3A_63 = arith.constant 0 : i32
      %dma_wait3A_64 = tpu.memref_slice %arg6[%add3A_53, %dma_wait3A_63] : memref<20000x128xf32, #tpu.memory_space<hbm>> -> memref<624x128xf32, #tpu.memory_space<hbm>>
      %dma_wait3A_65 = arith.constant 0 : i32
      %dma_wait3A_66 = tpu.memref_slice %arg13[%mul3A_48, %dma_wait3A_65] : memref<10000x128xf32, #tpu.memory_space<vmem_shared>> -> memref<624x128xf32, #tpu.memory_space<vmem_shared>>
      tpu.wait_dma2 semaphore(%run_scoped3A : memref<!tpu.dma_semaphore, #tpu.memory_space<semaphore_mem>>) src(%dma_wait3A_66 : memref<624x128xf32, #tpu.memory_space<vmem_shared>>) dst(%dma_wait3A_64 : memref<624x128xf32, #tpu.memory_space<hbm>>)
      tpu.yield
    }) : () -> ()
    %eq3A_54 = arith.constant 0 : i32
    %eq3A_55 = arith.cmpi eq, %arg1, %eq3A_54 : i32
    %convert_element_type3A_56 = arith.extui %eq3A_55 : i1 to i32
    %cond3A_57 = arith.constant 0 : i32
    %cond3A_58 = arith.cmpi ne, %convert_element_type3A_56, %cond3A_57 : i32
    scf.if %cond3A_58 {
      %mul3A_59 = arith.constant 10000 : i32
      %mul3A_60 = arith.muli %arg0, %mul3A_59 : i32
      %add3A_61 = arith.constant 9984 : i32
      %add3A_62 = arith.addi %mul3A_60, %add3A_61 : i32
      "tpu.region"() ({
        %run_scoped3A = tpu.sem_alloc : memref<!tpu.dma_semaphore, #tpu.memory_space<semaphore_mem>>
        %dma_start3A_63 = arith.constant 0 : i32
        %dma_start3A_64 = tpu.memref_slice %arg6[%add3A_62, %dma_start3A_63] : memref<20000x128xf32, #tpu.memory_space<hbm>> -> memref<16x128xf32, #tpu.memory_space<hbm>>
        %dma_start3A_65 = arith.constant 9984 : i32
        %dma_start3A_66 = arith.constant 0 : i32
        %dma_start3A_67 = tpu.memref_slice %arg13[%dma_start3A_65, %dma_start3A_66] : memref<10000x128xf32, #tpu.memory_space<vmem_shared>> -> memref<16x128xf32, #tpu.memory_space<vmem_shared>>
        tpu.enqueue_dma source(%dma_start3A_67 : memref<16x128xf32, #tpu.memory_space<vmem_shared>>) target(%dma_start3A_64 : memref<16x128xf32, #tpu.memory_space<hbm>>) target_semaphore(%run_scoped3A : memref<!tpu.dma_semaphore, #tpu.memory_space<semaphore_mem>>)
        %dma_wait3A_68 = arith.constant 0 : i32
        %dma_wait3A_69 = tpu.memref_slice %arg6[%add3A_62, %dma_wait3A_68] : memref<20000x128xf32, #tpu.memory_space<hbm>> -> memref<16x128xf32, #tpu.memory_space<hbm>>
        %dma_wait3A_70 = arith.constant 9984 : i32
        %dma_wait3A_71 = arith.constant 0 : i32
        %dma_wait3A_72 = tpu.memref_slice %arg13[%dma_wait3A_70, %dma_wait3A_71] : memref<10000x128xf32, #tpu.memory_space<vmem_shared>> -> memref<16x128xf32, #tpu.memory_space<vmem_shared>>
        tpu.wait_dma2 semaphore(%run_scoped3A : memref<!tpu.dma_semaphore, #tpu.memory_space<semaphore_mem>>) src(%dma_wait3A_72 : memref<16x128xf32, #tpu.memory_space<vmem_shared>>) dst(%dma_wait3A_69 : memref<16x128xf32, #tpu.memory_space<hbm>>)
        tpu.yield
      }) : () -> ()
    } else {
    }
    return
  }
}

#map = affine_map<(d0, d1) -> (0, 0)>
#map1 = affine_map<(d0, d1) -> (0, 0, 0)>
module attributes {stable_mosaic.version = 14 : i64} {
  func.func @_conv_body(%arg0: i32, %arg1: i32, %arg2: memref<10240x128xf32, #tpu.memory_space<hbm>>, %arg3: memref<32x10400xi32, #tpu.memory_space<hbm>>, %arg4: memref<32x100x104xi32, #tpu.memory_space<hbm>>, %arg5: memref<624x128xf32, #tpu.memory_space<hbm>>, %arg6: memref<20000x128xf32, #tpu.memory_space<hbm>>, %arg7: memref<10400xi32, #tpu.memory_space<vmem>>, %arg8: memref<100x104xi32, #tpu.memory_space<vmem>>, %arg9: memref<104x128xf32, #tpu.memory_space<vmem>>, %arg10: memref<104x128xf32, #tpu.memory_space<vmem>>, %arg11: memref<!tpu.dma_semaphore, #tpu.memory_space<semaphore_mem>>, %arg12: memref<!tpu.dma_semaphore, #tpu.memory_space<semaphore_mem>>, %arg13: memref<10000x128xf32, #tpu.memory_space<vmem_shared>>) attributes {dimension_semantics = [#tpu.dimension_semantics<core_parallel>, #tpu.dimension_semantics<subcore_parallel>], iteration_bounds = array<i64: 2, 16>, scalar_prefetch = 0 : i64, scratch_operands = 7 : i64, tpu.core_type = #tpu.core_type<sc_vector_subcore>, window_params = [{transform_indices = #map}, {transform_indices = #map}, {transform_indices = #map1}, {transform_indices = #map}, {transform_indices = #map}]} {
    %mul3A = arith.constant 16 : i32
    %mul3A_0 = arith.muli %arg0, %mul3A : i32
    %add3A = arith.addi %mul3A_0, %arg1 : i32
    %mul3A_1 = arith.constant 624 : i32
    %mul3A_2 = arith.muli %arg1, %mul3A_1 : i32
    %dma_start3A = arith.constant 0 : i32
    %dma_start3A_3 = tpu.memref_slice %arg13[%mul3A_2, %dma_start3A] : memref<10000x128xf32, #tpu.memory_space<vmem_shared>> -> memref<624x128xf32, #tpu.memory_space<vmem_shared>>
    tpu.enqueue_dma source(%arg5 : memref<624x128xf32, #tpu.memory_space<hbm>>) target(%dma_start3A_3 : memref<624x128xf32, #tpu.memory_space<vmem_shared>>) target_semaphore(%arg11 : memref<!tpu.dma_semaphore, #tpu.memory_space<semaphore_mem>>)
    %dma_start3A_4 = arith.constant 0 : i32
    %dma_start3A_5 = tpu.memref_slice %arg3[%add3A, %dma_start3A_4] : memref<32x10400xi32, #tpu.memory_space<hbm>> -> memref<1x10400xi32, #tpu.memory_space<hbm>>
    %dma_start3A_6 = tpu.memref_squeeze %dma_start3A_5 : memref<1x10400xi32, #tpu.memory_space<hbm>> -> memref<10400xi32, #tpu.memory_space<hbm>>
    %dma_start3A_7 = arith.constant 0 : i32
    %dma_start3A_8 = tpu.memref_slice %arg3[%add3A, %dma_start3A_7] : memref<32x10400xi32, #tpu.memory_space<hbm>> -> memref<1x10400xi32, #tpu.memory_space<hbm>>
    %dma_start3A_9 = tpu.memref_squeeze %dma_start3A_8 : memref<1x10400xi32, #tpu.memory_space<hbm>> -> memref<10400xi32, #tpu.memory_space<hbm>>
    tpu.enqueue_dma source(%dma_start3A_9 : memref<10400xi32, #tpu.memory_space<hbm>>) target(%arg7 : memref<10400xi32, #tpu.memory_space<vmem>>) target_semaphore(%arg12 : memref<!tpu.dma_semaphore, #tpu.memory_space<semaphore_mem>>)
    %dma_start3A_10 = arith.constant 0 : i32
    %dma_start3A_11 = arith.constant 0 : i32
    %dma_start3A_12 = tpu.memref_slice %arg4[%add3A, %dma_start3A_10, %dma_start3A_11] : memref<32x100x104xi32, #tpu.memory_space<hbm>> -> memref<1x100x104xi32, #tpu.memory_space<hbm>>
    %dma_start3A_13 = tpu.memref_squeeze %dma_start3A_12 : memref<1x100x104xi32, #tpu.memory_space<hbm>> -> memref<100x104xi32, #tpu.memory_space<hbm>>
    %dma_start3A_14 = arith.constant 0 : i32
    %dma_start3A_15 = arith.constant 0 : i32
    %dma_start3A_16 = tpu.memref_slice %arg4[%add3A, %dma_start3A_14, %dma_start3A_15] : memref<32x100x104xi32, #tpu.memory_space<hbm>> -> memref<1x100x104xi32, #tpu.memory_space<hbm>>
    %dma_start3A_17 = tpu.memref_squeeze %dma_start3A_16 : memref<1x100x104xi32, #tpu.memory_space<hbm>> -> memref<100x104xi32, #tpu.memory_space<hbm>>
    tpu.enqueue_dma source(%dma_start3A_17 : memref<100x104xi32, #tpu.memory_space<hbm>>) target(%arg8 : memref<100x104xi32, #tpu.memory_space<vmem>>) target_semaphore(%arg12 : memref<!tpu.dma_semaphore, #tpu.memory_space<semaphore_mem>>)
    %eq3A = arith.constant 0 : i32
    %eq3A_18 = arith.cmpi eq, %arg1, %eq3A : i32
    %convert_element_type3A = arith.extui %eq3A_18 : i1 to i32
    %cond3A = arith.constant 0 : i32
    %cond3A_19 = arith.cmpi ne, %convert_element_type3A, %cond3A : i32
    scf.if %cond3A_19 {
      "tpu.region"() ({
        %run_scoped3A = tpu.sem_alloc : memref<!tpu.dma_semaphore, #tpu.memory_space<semaphore_mem>>
        %dma_start3A_59 = arith.constant 9984 : i32
        %dma_start3A_60 = arith.constant 0 : i32
        %dma_start3A_61 = tpu.memref_slice %arg13[%dma_start3A_59, %dma_start3A_60] : memref<10000x128xf32, #tpu.memory_space<vmem_shared>> -> memref<16x128xf32, #tpu.memory_space<vmem_shared>>
        %dma_start3A_62 = arith.constant 0 : i32
        %dma_start3A_63 = arith.constant 0 : i32
        %dma_start3A_64 = tpu.memref_slice %arg5[%dma_start3A_62, %dma_start3A_63] : memref<624x128xf32, #tpu.memory_space<hbm>> -> memref<16x128xf32, #tpu.memory_space<hbm>>
        tpu.enqueue_dma source(%dma_start3A_64 : memref<16x128xf32, #tpu.memory_space<hbm>>) target(%dma_start3A_61 : memref<16x128xf32, #tpu.memory_space<vmem_shared>>) target_semaphore(%run_scoped3A : memref<!tpu.dma_semaphore, #tpu.memory_space<semaphore_mem>>)
        %dma_wait3A_65 = arith.constant 9984 : i32
        %dma_wait3A_66 = arith.constant 0 : i32
        %dma_wait3A_67 = tpu.memref_slice %arg13[%dma_wait3A_65, %dma_wait3A_66] : memref<10000x128xf32, #tpu.memory_space<vmem_shared>> -> memref<16x128xf32, #tpu.memory_space<vmem_shared>>
        %dma_wait3A_68 = arith.constant 0 : i32
        %dma_wait3A_69 = arith.constant 0 : i32
        %dma_wait3A_70 = tpu.memref_slice %arg5[%dma_wait3A_68, %dma_wait3A_69] : memref<624x128xf32, #tpu.memory_space<hbm>> -> memref<16x128xf32, #tpu.memory_space<hbm>>
        tpu.wait_dma2 semaphore(%run_scoped3A : memref<!tpu.dma_semaphore, #tpu.memory_space<semaphore_mem>>) src(%dma_wait3A_70 : memref<16x128xf32, #tpu.memory_space<hbm>>) dst(%dma_wait3A_67 : memref<16x128xf32, #tpu.memory_space<vmem_shared>>)
        tpu.yield
      }) : () -> ()
    } else {
    }
    %mul3A_20 = arith.constant 624 : i32
    %mul3A_21 = arith.muli %arg1, %mul3A_20 : i32
    %dma_wait3A = arith.constant 0 : i32
    %dma_wait3A_22 = tpu.memref_slice %arg13[%mul3A_21, %dma_wait3A] : memref<10000x128xf32, #tpu.memory_space<vmem_shared>> -> memref<624x128xf32, #tpu.memory_space<vmem_shared>>
    tpu.wait_dma2 semaphore(%arg11 : memref<!tpu.dma_semaphore, #tpu.memory_space<semaphore_mem>>) src(%arg5 : memref<624x128xf32, #tpu.memory_space<hbm>>) dst(%dma_wait3A_22 : memref<624x128xf32, #tpu.memory_space<vmem_shared>>)
    %dma_wait3A_23 = arith.constant 0 : i32
    %dma_wait3A_24 = tpu.memref_slice %arg3[%add3A, %dma_wait3A_23] : memref<32x10400xi32, #tpu.memory_space<hbm>> -> memref<1x10400xi32, #tpu.memory_space<hbm>>
    %dma_wait3A_25 = tpu.memref_squeeze %dma_wait3A_24 : memref<1x10400xi32, #tpu.memory_space<hbm>> -> memref<10400xi32, #tpu.memory_space<hbm>>
    %dma_wait3A_26 = arith.constant 0 : i32
    %dma_wait3A_27 = tpu.memref_slice %arg3[%add3A, %dma_wait3A_26] : memref<32x10400xi32, #tpu.memory_space<hbm>> -> memref<1x10400xi32, #tpu.memory_space<hbm>>
    %dma_wait3A_28 = tpu.memref_squeeze %dma_wait3A_27 : memref<1x10400xi32, #tpu.memory_space<hbm>> -> memref<10400xi32, #tpu.memory_space<hbm>>
    tpu.wait_dma2 semaphore(%arg12 : memref<!tpu.dma_semaphore, #tpu.memory_space<semaphore_mem>>) src(%dma_wait3A_28 : memref<10400xi32, #tpu.memory_space<hbm>>) dst(%arg7 : memref<10400xi32, #tpu.memory_space<vmem>>)
    %dma_wait3A_29 = arith.constant 0 : i32
    %dma_wait3A_30 = arith.constant 0 : i32
    %dma_wait3A_31 = tpu.memref_slice %arg4[%add3A, %dma_wait3A_29, %dma_wait3A_30] : memref<32x100x104xi32, #tpu.memory_space<hbm>> -> memref<1x100x104xi32, #tpu.memory_space<hbm>>
    %dma_wait3A_32 = tpu.memref_squeeze %dma_wait3A_31 : memref<1x100x104xi32, #tpu.memory_space<hbm>> -> memref<100x104xi32, #tpu.memory_space<hbm>>
    %dma_wait3A_33 = arith.constant 0 : i32
    %dma_wait3A_34 = arith.constant 0 : i32
    %dma_wait3A_35 = tpu.memref_slice %arg4[%add3A, %dma_wait3A_33, %dma_wait3A_34] : memref<32x100x104xi32, #tpu.memory_space<hbm>> -> memref<1x100x104xi32, #tpu.memory_space<hbm>>
    %dma_wait3A_36 = tpu.memref_squeeze %dma_wait3A_35 : memref<1x100x104xi32, #tpu.memory_space<hbm>> -> memref<100x104xi32, #tpu.memory_space<hbm>>
    tpu.wait_dma2 semaphore(%arg12 : memref<!tpu.dma_semaphore, #tpu.memory_space<semaphore_mem>>) src(%dma_wait3A_36 : memref<100x104xi32, #tpu.memory_space<hbm>>) dst(%arg8 : memref<100x104xi32, #tpu.memory_space<vmem>>)
    %barrier3A = arith.constant 0 : index
    tpu.barrier barrier_id(%barrier3A)
    %dma_start3A_37 = arith.constant 0 : i32
    %dma_start3A_38 = tpu.memref_slice %arg7[%dma_start3A_37] : memref<10400xi32, #tpu.memory_space<vmem>> -> memref<104xi32, #tpu.memory_space<vmem>>
    %dma_start3A_39 = arith.constant 0 : i32
    %dma_start3A_40 = arith.constant 0 : i32
    %dma_start3A_41 = tpu.memref_slice %arg2[%dma_start3A_39, %dma_start3A_40] : memref<10240x128xf32, #tpu.memory_space<hbm>> -> memref<10240x128xf32, #tpu.memory_space<hbm>>
    tpu.enqueue_indirect_dma source(%dma_start3A_41 : memref<10240x128xf32, #tpu.memory_space<hbm>>) target(%arg9 : memref<104x128xf32, #tpu.memory_space<vmem>>) offsets(%dma_start3A_38 : memref<104xi32, #tpu.memory_space<vmem>>) semaphore(%arg11 : memref<!tpu.dma_semaphore, #tpu.memory_space<semaphore_mem>>)
    %scan3A = arith.constant 0 : i32
    %scan3A_42 = arith.constant 50 : i32
    %scan3A_43 = arith.addi %scan3A, %scan3A_42 : i32
    %scan3A_44 = arith.constant 1 : i32
    scf.for %scan3A_59 = %scan3A to %scan3A_43 step %scan3A_44  : i32 {
      %mul3A_60 = arith.constant 1 : i32
      %mul3A_61 = arith.muli %scan3A_59, %mul3A_60 : i32
      %add3A_62 = arith.constant 0 : i32
      %add3A_63 = arith.addi %add3A_62, %mul3A_61 : i32
      %mul3A_64 = arith.constant 2 : i32
      %mul3A_65 = arith.muli %mul3A_64, %add3A_63 : i32
      %add3A_66 = arith.constant 1 : i32
      %add3A_67 = arith.addi %mul3A_65, %add3A_66 : i32
      %mul3A_68 = arith.constant 104 : i32
      %mul3A_69 = arith.muli %add3A_67, %mul3A_68 : i32
      %dma_start3A_70 = tpu.memref_slice %arg7[%mul3A_69] : memref<10400xi32, #tpu.memory_space<vmem>> -> memref<104xi32, #tpu.memory_space<vmem>>
      %dma_start3A_71 = arith.constant 0 : i32
      %dma_start3A_72 = arith.constant 0 : i32
      %dma_start3A_73 = tpu.memref_slice %arg2[%dma_start3A_71, %dma_start3A_72] : memref<10240x128xf32, #tpu.memory_space<hbm>> -> memref<10240x128xf32, #tpu.memory_space<hbm>>
      tpu.enqueue_indirect_dma source(%dma_start3A_73 : memref<10240x128xf32, #tpu.memory_space<hbm>>) target(%arg10 : memref<104x128xf32, #tpu.memory_space<vmem>>) offsets(%dma_start3A_70 : memref<104xi32, #tpu.memory_space<vmem>>) semaphore(%arg12 : memref<!tpu.dma_semaphore, #tpu.memory_space<semaphore_mem>>)
      %mul3A_74 = arith.constant 104 : i32
      %mul3A_75 = arith.muli %mul3A_65, %mul3A_74 : i32
      %dma_wait3A_76 = tpu.memref_slice %arg7[%mul3A_75] : memref<10400xi32, #tpu.memory_space<vmem>> -> memref<104xi32, #tpu.memory_space<vmem>>
      %dma_wait3A_77 = arith.constant 0 : i32
      %dma_wait3A_78 = arith.constant 0 : i32
      %dma_wait3A_79 = tpu.memref_slice %arg2[%dma_wait3A_77, %dma_wait3A_78] : memref<10240x128xf32, #tpu.memory_space<hbm>> -> memref<10240x128xf32, #tpu.memory_space<hbm>>
      tpu.wait_indirect_dma semaphore(%arg11 : memref<!tpu.dma_semaphore, #tpu.memory_space<semaphore_mem>>) src(%dma_wait3A_79 : memref<10240x128xf32, #tpu.memory_space<hbm>>) dst(%arg9 : memref<104x128xf32, #tpu.memory_space<vmem>>)
      "tpu.region"() ({
        %run_scoped3A = tpu.sem_alloc : memref<!tpu.dma_semaphore, #tpu.memory_space<semaphore_mem>>
        %dma_start3A_96 = arith.constant 0 : i32
        %dma_start3A_97 = tpu.memref_slice %arg8[%mul3A_65, %dma_start3A_96] : memref<100x104xi32, #tpu.memory_space<vmem>> -> memref<1x104xi32, #tpu.memory_space<vmem>>
        %dma_start3A_98 = tpu.memref_squeeze %dma_start3A_97 : memref<1x104xi32, #tpu.memory_space<vmem>> -> memref<104xi32, #tpu.memory_space<vmem>>
        %dma_start3A_99 = arith.constant 0 : i32
        %dma_start3A_100 = arith.constant 0 : i32
        %dma_start3A_101 = tpu.memref_slice %arg13[%dma_start3A_99, %dma_start3A_100] : memref<10000x128xf32, #tpu.memory_space<vmem_shared>> -> memref<10000x128xf32, #tpu.memory_space<vmem_shared>>
        tpu.enqueue_indirect_dma source(%arg9 : memref<104x128xf32, #tpu.memory_space<vmem>>) target(%dma_start3A_101 : memref<10000x128xf32, #tpu.memory_space<vmem_shared>>) offsets(%dma_start3A_98 : memref<104xi32, #tpu.memory_space<vmem>>) semaphore(%run_scoped3A : memref<!tpu.dma_semaphore, #tpu.memory_space<semaphore_mem>>) {add = true}
        %dma_wait3A_102 = arith.constant 0 : i32
        %dma_wait3A_103 = tpu.memref_slice %arg8[%mul3A_65, %dma_wait3A_102] : memref<100x104xi32, #tpu.memory_space<vmem>> -> memref<1x104xi32, #tpu.memory_space<vmem>>
        %dma_wait3A_104 = tpu.memref_squeeze %dma_wait3A_103 : memref<1x104xi32, #tpu.memory_space<vmem>> -> memref<104xi32, #tpu.memory_space<vmem>>
        %dma_wait3A_105 = arith.constant 0 : i32
        %dma_wait3A_106 = arith.constant 0 : i32
        %dma_wait3A_107 = tpu.memref_slice %arg13[%dma_wait3A_105, %dma_wait3A_106] : memref<10000x128xf32, #tpu.memory_space<vmem_shared>> -> memref<10000x128xf32, #tpu.memory_space<vmem_shared>>
        tpu.wait_indirect_dma semaphore(%run_scoped3A : memref<!tpu.dma_semaphore, #tpu.memory_space<semaphore_mem>>) src(%arg9 : memref<104x128xf32, #tpu.memory_space<vmem>>) dst(%dma_wait3A_107 : memref<10000x128xf32, #tpu.memory_space<vmem_shared>>)
        tpu.yield
      }) : () -> ()
      %add3A_80 = arith.constant 2 : i32
      %add3A_81 = arith.addi %mul3A_65, %add3A_80 : i32
      %lt3A = arith.constant 100 : i32
      %lt3A_82 = arith.cmpi slt, %add3A_81, %lt3A : i32
      %convert_element_type3A_83 = arith.extui %lt3A_82 : i1 to i32
      %cond3A_84 = arith.constant 0 : i32
      %cond3A_85 = arith.cmpi ne, %convert_element_type3A_83, %cond3A_84 : i32
      scf.if %cond3A_85 {
        %add3A_96 = arith.constant 2 : i32
        %add3A_97 = arith.addi %mul3A_65, %add3A_96 : i32
        %mul3A_98 = arith.constant 104 : i32
        %mul3A_99 = arith.muli %add3A_97, %mul3A_98 : i32
        %dma_start3A_100 = tpu.memref_slice %arg7[%mul3A_99] : memref<10400xi32, #tpu.memory_space<vmem>> -> memref<104xi32, #tpu.memory_space<vmem>>
        %dma_start3A_101 = arith.constant 0 : i32
        %dma_start3A_102 = arith.constant 0 : i32
        %dma_start3A_103 = tpu.memref_slice %arg2[%dma_start3A_101, %dma_start3A_102] : memref<10240x128xf32, #tpu.memory_space<hbm>> -> memref<10240x128xf32, #tpu.memory_space<hbm>>
        tpu.enqueue_indirect_dma source(%dma_start3A_103 : memref<10240x128xf32, #tpu.memory_space<hbm>>) target(%arg9 : memref<104x128xf32, #tpu.memory_space<vmem>>) offsets(%dma_start3A_100 : memref<104xi32, #tpu.memory_space<vmem>>) semaphore(%arg11 : memref<!tpu.dma_semaphore, #tpu.memory_space<semaphore_mem>>)
      } else {
      }
      %add3A_86 = arith.constant 1 : i32
      %add3A_87 = arith.addi %mul3A_65, %add3A_86 : i32
      %mul3A_88 = arith.constant 104 : i32
      %mul3A_89 = arith.muli %add3A_87, %mul3A_88 : i32
      %dma_wait3A_90 = tpu.memref_slice %arg7[%mul3A_89] : memref<10400xi32, #tpu.memory_space<vmem>> -> memref<104xi32, #tpu.memory_space<vmem>>
      %dma_wait3A_91 = arith.constant 0 : i32
      %dma_wait3A_92 = arith.constant 0 : i32
      %dma_wait3A_93 = tpu.memref_slice %arg2[%dma_wait3A_91, %dma_wait3A_92] : memref<10240x128xf32, #tpu.memory_space<hbm>> -> memref<10240x128xf32, #tpu.memory_space<hbm>>
      tpu.wait_indirect_dma semaphore(%arg12 : memref<!tpu.dma_semaphore, #tpu.memory_space<semaphore_mem>>) src(%dma_wait3A_93 : memref<10240x128xf32, #tpu.memory_space<hbm>>) dst(%arg10 : memref<104x128xf32, #tpu.memory_space<vmem>>)
      %add3A_94 = arith.constant 1 : i32
      %add3A_95 = arith.addi %mul3A_65, %add3A_94 : i32
      "tpu.region"() ({
        %run_scoped3A = tpu.sem_alloc : memref<!tpu.dma_semaphore, #tpu.memory_space<semaphore_mem>>
        %dma_start3A_96 = arith.constant 0 : i32
        %dma_start3A_97 = tpu.memref_slice %arg8[%add3A_95, %dma_start3A_96] : memref<100x104xi32, #tpu.memory_space<vmem>> -> memref<1x104xi32, #tpu.memory_space<vmem>>
        %dma_start3A_98 = tpu.memref_squeeze %dma_start3A_97 : memref<1x104xi32, #tpu.memory_space<vmem>> -> memref<104xi32, #tpu.memory_space<vmem>>
        %dma_start3A_99 = arith.constant 0 : i32
        %dma_start3A_100 = arith.constant 0 : i32
        %dma_start3A_101 = tpu.memref_slice %arg13[%dma_start3A_99, %dma_start3A_100] : memref<10000x128xf32, #tpu.memory_space<vmem_shared>> -> memref<10000x128xf32, #tpu.memory_space<vmem_shared>>
        tpu.enqueue_indirect_dma source(%arg10 : memref<104x128xf32, #tpu.memory_space<vmem>>) target(%dma_start3A_101 : memref<10000x128xf32, #tpu.memory_space<vmem_shared>>) offsets(%dma_start3A_98 : memref<104xi32, #tpu.memory_space<vmem>>) semaphore(%run_scoped3A : memref<!tpu.dma_semaphore, #tpu.memory_space<semaphore_mem>>) {add = true}
        %dma_wait3A_102 = arith.constant 0 : i32
        %dma_wait3A_103 = tpu.memref_slice %arg8[%add3A_95, %dma_wait3A_102] : memref<100x104xi32, #tpu.memory_space<vmem>> -> memref<1x104xi32, #tpu.memory_space<vmem>>
        %dma_wait3A_104 = tpu.memref_squeeze %dma_wait3A_103 : memref<1x104xi32, #tpu.memory_space<vmem>> -> memref<104xi32, #tpu.memory_space<vmem>>
        %dma_wait3A_105 = arith.constant 0 : i32
        %dma_wait3A_106 = arith.constant 0 : i32
        %dma_wait3A_107 = tpu.memref_slice %arg13[%dma_wait3A_105, %dma_wait3A_106] : memref<10000x128xf32, #tpu.memory_space<vmem_shared>> -> memref<10000x128xf32, #tpu.memory_space<vmem_shared>>
        tpu.wait_indirect_dma semaphore(%run_scoped3A : memref<!tpu.dma_semaphore, #tpu.memory_space<semaphore_mem>>) src(%arg10 : memref<104x128xf32, #tpu.memory_space<vmem>>) dst(%dma_wait3A_107 : memref<10000x128xf32, #tpu.memory_space<vmem_shared>>)
        tpu.yield
      }) : () -> ()
    }
    %scan3A_45 = arith.constant 50 : i32
    %barrier3A_46 = arith.constant 0 : index
    tpu.barrier barrier_id(%barrier3A_46)
    %mul3A_47 = arith.constant 624 : i32
    %mul3A_48 = arith.muli %arg1, %mul3A_47 : i32
    %mul3A_49 = arith.constant 10000 : i32
    %mul3A_50 = arith.muli %arg0, %mul3A_49 : i32
    %mul3A_51 = arith.constant 624 : i32
    %mul3A_52 = arith.muli %arg1, %mul3A_51 : i32
    %add3A_53 = arith.addi %mul3A_50, %mul3A_52 : i32
    "tpu.region"() ({
      %run_scoped3A = tpu.sem_alloc : memref<!tpu.dma_semaphore, #tpu.memory_space<semaphore_mem>>
      %dma_start3A_59 = arith.constant 0 : i32
      %dma_start3A_60 = tpu.memref_slice %arg6[%add3A_53, %dma_start3A_59] : memref<20000x128xf32, #tpu.memory_space<hbm>> -> memref<624x128xf32, #tpu.memory_space<hbm>>
      %dma_start3A_61 = arith.constant 0 : i32
      %dma_start3A_62 = tpu.memref_slice %arg13[%mul3A_48, %dma_start3A_61] : memref<10000x128xf32, #tpu.memory_space<vmem_shared>> -> memref<624x128xf32, #tpu.memory_space<vmem_shared>>
      tpu.enqueue_dma source(%dma_start3A_62 : memref<624x128xf32, #tpu.memory_space<vmem_shared>>) target(%dma_start3A_60 : memref<624x128xf32, #tpu.memory_space<hbm>>) target_semaphore(%run_scoped3A : memref<!tpu.dma_semaphore, #tpu.memory_space<semaphore_mem>>)
      %dma_wait3A_63 = arith.constant 0 : i32
      %dma_wait3A_64 = tpu.memref_slice %arg6[%add3A_53, %dma_wait3A_63] : memref<20000x128xf32, #tpu.memory_space<hbm>> -> memref<624x128xf32, #tpu.memory_space<hbm>>
      %dma_wait3A_65 = arith.constant 0 : i32
      %dma_wait3A_66 = tpu.memref_slice %arg13[%mul3A_48, %dma_wait3A_65] : memref<10000x128xf32, #tpu.memory_space<vmem_shared>> -> memref<624x128xf32, #tpu.memory_space<vmem_shared>>
      tpu.wait_dma2 semaphore(%run_scoped3A : memref<!tpu.dma_semaphore, #tpu.memory_space<semaphore_mem>>) src(%dma_wait3A_66 : memref<624x128xf32, #tpu.memory_space<vmem_shared>>) dst(%dma_wait3A_64 : memref<624x128xf32, #tpu.memory_space<hbm>>)
      tpu.yield
    }) : () -> ()
    %eq3A_54 = arith.constant 0 : i32
    %eq3A_55 = arith.cmpi eq, %arg1, %eq3A_54 : i32
    %convert_element_type3A_56 = arith.extui %eq3A_55 : i1 to i32
    %cond3A_57 = arith.constant 0 : i32
    %cond3A_58 = arith.cmpi ne, %convert_element_type3A_56, %cond3A_57 : i32
    scf.if %cond3A_58 {
      %mul3A_59 = arith.constant 10000 : i32
      %mul3A_60 = arith.muli %arg0, %mul3A_59 : i32
      %add3A_61 = arith.constant 9984 : i32
      %add3A_62 = arith.addi %mul3A_60, %add3A_61 : i32
      "tpu.region"() ({
        %run_scoped3A = tpu.sem_alloc : memref<!tpu.dma_semaphore, #tpu.memory_space<semaphore_mem>>
        %dma_start3A_63 = arith.constant 0 : i32
        %dma_start3A_64 = tpu.memref_slice %arg6[%add3A_62, %dma_start3A_63] : memref<20000x128xf32, #tpu.memory_space<hbm>> -> memref<16x128xf32, #tpu.memory_space<hbm>>
        %dma_start3A_65 = arith.constant 9984 : i32
        %dma_start3A_66 = arith.constant 0 : i32
        %dma_start3A_67 = tpu.memref_slice %arg13[%dma_start3A_65, %dma_start3A_66] : memref<10000x128xf32, #tpu.memory_space<vmem_shared>> -> memref<16x128xf32, #tpu.memory_space<vmem_shared>>
        tpu.enqueue_dma source(%dma_start3A_67 : memref<16x128xf32, #tpu.memory_space<vmem_shared>>) target(%dma_start3A_64 : memref<16x128xf32, #tpu.memory_space<hbm>>) target_semaphore(%run_scoped3A : memref<!tpu.dma_semaphore, #tpu.memory_space<semaphore_mem>>)
        %dma_wait3A_68 = arith.constant 0 : i32
        %dma_wait3A_69 = tpu.memref_slice %arg6[%add3A_62, %dma_wait3A_68] : memref<20000x128xf32, #tpu.memory_space<hbm>> -> memref<16x128xf32, #tpu.memory_space<hbm>>
        %dma_wait3A_70 = arith.constant 9984 : i32
        %dma_wait3A_71 = arith.constant 0 : i32
        %dma_wait3A_72 = tpu.memref_slice %arg13[%dma_wait3A_70, %dma_wait3A_71] : memref<10000x128xf32, #tpu.memory_space<vmem_shared>> -> memref<16x128xf32, #tpu.memory_space<vmem_shared>>
        tpu.wait_dma2 semaphore(%run_scoped3A : memref<!tpu.dma_semaphore, #tpu.memory_space<semaphore_mem>>) src(%dma_wait3A_72 : memref<16x128xf32, #tpu.memory_space<vmem_shared>>) dst(%dma_wait3A_69 : memref<16x128xf32, #tpu.memory_space<hbm>>)
        tpu.yield
      }) : () -> ()
    } else {
    }
    return
  }
}

module attributes {stable_mosaic.version = 14 : i64} {
  func.func @_mms_body(%arg0: i32, %arg1: memref<1x16x128xf32, #tpu.memory_space<vmem>>, %arg2: memref<1x16x128xf32, #tpu.memory_space<vmem>>, %arg3: memref<1x128xf32, #tpu.memory_space<vmem>>, %arg4: memref<2048x128xf32, #tpu.memory_space<vmem>>, %arg5: memref<128x128xf32, #tpu.memory_space<vmem>>, %arg6: memref<2048x128xf32, #tpu.memory_space<vmem>>) attributes {dimension_semantics = [#tpu.dimension_semantics<arbitrary>], iteration_bounds = array<i64: 5>, scalar_prefetch = 0 : i64, scratch_operands = 0 : i64, tpu.core_type = #tpu.core_type<tc>, window_params = [{transform_indices = @transform_0, window_bounds = array<i64: 1, 16, 128>}, {transform_indices = @transform_1, window_bounds = array<i64: 1, 16, 128>}, {pipeline_mode = #tpu.pipeline_mode<synchronous>, transform_indices = @transform_2, window_bounds = array<i64: 1, 128>}, {transform_indices = @transform_3, window_bounds = array<i64: 2048, 128>}, {pipeline_mode = #tpu.pipeline_mode<synchronous>, transform_indices = @transform_4, window_bounds = array<i64: 128, 128>}, {transform_indices = @transform_5, window_bounds = array<i64: 2048, 128>}]} {
    %get3A = arith.constant 0 : index
    %get3A_0 = arith.constant 0 : index
    %get3A_1 = arith.constant 0 : index
    %get3A_2 = vector.load %arg1[%get3A, %get3A_0, %get3A_1] : memref<1x16x128xf32, #tpu.memory_space<vmem>>, vector<1x16x128xf32>
    %get3A_3 = vector.shape_cast %get3A_2 : vector<1x16x128xf32> to vector<16x128xf32>
    %get3A_4 = arith.constant 0 : index
    %get3A_5 = arith.constant 0 : index
    %get3A_6 = arith.constant 0 : index
    %get3A_7 = vector.load %arg2[%get3A_4, %get3A_5, %get3A_6] : memref<1x16x128xf32, #tpu.memory_space<vmem>>, vector<1x16x128xf32>
    %get3A_8 = vector.shape_cast %get3A_7 : vector<1x16x128xf32> to vector<16x128xf32>
    %add3A = arith.addf %get3A_3, %get3A_8 : vector<16x128xf32>
    %add3A_9 = arith.constant 1.000000e+00 : f32
    %add3A_10 = vector.broadcast %add3A_9 : f32 to vector<16x128xf32>
    %add3A_11 = arith.addf %add3A, %add3A_10 : vector<16x128xf32>
    %rsqrt3A = math.rsqrt %add3A_11 : vector<16x128xf32>
    %slice3A = vector.extract_strided_slice %rsqrt3A {offsets = [0, 0], sizes = [1, 128], strides = [1, 1]} : vector<16x128xf32> to vector<1x128xf32>
    %get3A_12 = arith.constant 0 : index
    %get3A_13 = arith.constant 0 : index
    %get3A_14 = vector.load %arg3[%get3A_12, %get3A_13] : memref<1x128xf32, #tpu.memory_space<vmem>>, vector<1x128xf32>
    %dot_general3A = arith.constant dense<0.000000e+00> : vector<128x128xf32>
    %dot_general3A_15 = tpu.matmul %slice3A, %get3A_14, %dot_general3A {dimension_numbers = #tpu.dot_dimension_numbers<[0], [0], [1], [1], [0, 1, 1, 1], [], []>, precision = #tpu.contract_precision<fp32>, transpose_lhs_hint = false} : vector<1x128xf32>, vector<1x128xf32>, vector<128x128xf32> -> vector<128x128xf32>
    %slice3A_16 = vector.extract_strided_slice %rsqrt3A {offsets = [1, 0], sizes = [1, 128], strides = [1, 1]} : vector<16x128xf32> to vector<1x128xf32>
    %get3A_17 = arith.constant 0 : index
    %get3A_18 = arith.constant 0 : index
    %get3A_19 = vector.load %arg3[%get3A_17, %get3A_18] : memref<1x128xf32, #tpu.memory_space<vmem>>, vector<1x128xf32>
    %dot_general3A_20 = arith.constant dense<0.000000e+00> : vector<128x128xf32>
    %dot_general3A_21 = tpu.matmul %slice3A_16, %get3A_19, %dot_general3A_20 {dimension_numbers = #tpu.dot_dimension_numbers<[0], [0], [1], [1], [0, 1, 1, 1], [], []>, precision = #tpu.contract_precision<fp32>, transpose_lhs_hint = false} : vector<1x128xf32>, vector<1x128xf32>, vector<128x128xf32> -> vector<128x128xf32>
    %slice3A_22 = vector.extract_strided_slice %rsqrt3A {offsets = [2, 0], sizes = [1, 128], strides = [1, 1]} : vector<16x128xf32> to vector<1x128xf32>
    %get3A_23 = arith.constant 0 : index
    %get3A_24 = arith.constant 0 : index
    %get3A_25 = vector.load %arg3[%get3A_23, %get3A_24] : memref<1x128xf32, #tpu.memory_space<vmem>>, vector<1x128xf32>
    %dot_general3A_26 = arith.constant dense<0.000000e+00> : vector<128x128xf32>
    %dot_general3A_27 = tpu.matmul %slice3A_22, %get3A_25, %dot_general3A_26 {dimension_numbers = #tpu.dot_dimension_numbers<[0], [0], [1], [1], [0, 1, 1, 1], [], []>, precision = #tpu.contract_precision<fp32>, transpose_lhs_hint = false} : vector<1x128xf32>, vector<1x128xf32>, vector<128x128xf32> -> vector<128x128xf32>
    %slice3A_28 = vector.extract_strided_slice %rsqrt3A {offsets = [3, 0], sizes = [1, 128], strides = [1, 1]} : vector<16x128xf32> to vector<1x128xf32>
    %get3A_29 = arith.constant 0 : index
    %get3A_30 = arith.constant 0 : index
    %get3A_31 = vector.load %arg3[%get3A_29, %get3A_30] : memref<1x128xf32, #tpu.memory_space<vmem>>, vector<1x128xf32>
    %dot_general3A_32 = arith.constant dense<0.000000e+00> : vector<128x128xf32>
    %dot_general3A_33 = tpu.matmul %slice3A_28, %get3A_31, %dot_general3A_32 {dimension_numbers = #tpu.dot_dimension_numbers<[0], [0], [1], [1], [0, 1, 1, 1], [], []>, precision = #tpu.contract_precision<fp32>, transpose_lhs_hint = false} : vector<1x128xf32>, vector<1x128xf32>, vector<128x128xf32> -> vector<128x128xf32>
    %slice3A_34 = vector.extract_strided_slice %rsqrt3A {offsets = [4, 0], sizes = [1, 128], strides = [1, 1]} : vector<16x128xf32> to vector<1x128xf32>
    %get3A_35 = arith.constant 0 : index
    %get3A_36 = arith.constant 0 : index
    %get3A_37 = vector.load %arg3[%get3A_35, %get3A_36] : memref<1x128xf32, #tpu.memory_space<vmem>>, vector<1x128xf32>
    %dot_general3A_38 = arith.constant dense<0.000000e+00> : vector<128x128xf32>
    %dot_general3A_39 = tpu.matmul %slice3A_34, %get3A_37, %dot_general3A_38 {dimension_numbers = #tpu.dot_dimension_numbers<[0], [0], [1], [1], [0, 1, 1, 1], [], []>, precision = #tpu.contract_precision<fp32>, transpose_lhs_hint = false} : vector<1x128xf32>, vector<1x128xf32>, vector<128x128xf32> -> vector<128x128xf32>
    %slice3A_40 = vector.extract_strided_slice %rsqrt3A {offsets = [5, 0], sizes = [1, 128], strides = [1, 1]} : vector<16x128xf32> to vector<1x128xf32>
    %get3A_41 = arith.constant 0 : index
    %get3A_42 = arith.constant 0 : index
    %get3A_43 = vector.load %arg3[%get3A_41, %get3A_42] : memref<1x128xf32, #tpu.memory_space<vmem>>, vector<1x128xf32>
    %dot_general3A_44 = arith.constant dense<0.000000e+00> : vector<128x128xf32>
    %dot_general3A_45 = tpu.matmul %slice3A_40, %get3A_43, %dot_general3A_44 {dimension_numbers = #tpu.dot_dimension_numbers<[0], [0], [1], [1], [0, 1, 1, 1], [], []>, precision = #tpu.contract_precision<fp32>, transpose_lhs_hint = false} : vector<1x128xf32>, vector<1x128xf32>, vector<128x128xf32> -> vector<128x128xf32>
    %slice3A_46 = vector.extract_strided_slice %rsqrt3A {offsets = [6, 0], sizes = [1, 128], strides = [1, 1]} : vector<16x128xf32> to vector<1x128xf32>
    %get3A_47 = arith.constant 0 : index
    %get3A_48 = arith.constant 0 : index
    %get3A_49 = vector.load %arg3[%get3A_47, %get3A_48] : memref<1x128xf32, #tpu.memory_space<vmem>>, vector<1x128xf32>
    %dot_general3A_50 = arith.constant dense<0.000000e+00> : vector<128x128xf32>
    %dot_general3A_51 = tpu.matmul %slice3A_46, %get3A_49, %dot_general3A_50 {dimension_numbers = #tpu.dot_dimension_numbers<[0], [0], [1], [1], [0, 1, 1, 1], [], []>, precision = #tpu.contract_precision<fp32>, transpose_lhs_hint = false} : vector<1x128xf32>, vector<1x128xf32>, vector<128x128xf32> -> vector<128x128xf32>
    %slice3A_52 = vector.extract_strided_slice %rsqrt3A {offsets = [7, 0], sizes = [1, 128], strides = [1, 1]} : vector<16x128xf32> to vector<1x128xf32>
    %get3A_53 = arith.constant 0 : index
    %get3A_54 = arith.constant 0 : index
    %get3A_55 = vector.load %arg3[%get3A_53, %get3A_54] : memref<1x128xf32, #tpu.memory_space<vmem>>, vector<1x128xf32>
    %dot_general3A_56 = arith.constant dense<0.000000e+00> : vector<128x128xf32>
    %dot_general3A_57 = tpu.matmul %slice3A_52, %get3A_55, %dot_general3A_56 {dimension_numbers = #tpu.dot_dimension_numbers<[0], [0], [1], [1], [0, 1, 1, 1], [], []>, precision = #tpu.contract_precision<fp32>, transpose_lhs_hint = false} : vector<1x128xf32>, vector<1x128xf32>, vector<128x128xf32> -> vector<128x128xf32>
    %slice3A_58 = vector.extract_strided_slice %rsqrt3A {offsets = [8, 0], sizes = [1, 128], strides = [1, 1]} : vector<16x128xf32> to vector<1x128xf32>
    %get3A_59 = arith.constant 0 : index
    %get3A_60 = arith.constant 0 : index
    %get3A_61 = vector.load %arg3[%get3A_59, %get3A_60] : memref<1x128xf32, #tpu.memory_space<vmem>>, vector<1x128xf32>
    %dot_general3A_62 = arith.constant dense<0.000000e+00> : vector<128x128xf32>
    %dot_general3A_63 = tpu.matmul %slice3A_58, %get3A_61, %dot_general3A_62 {dimension_numbers = #tpu.dot_dimension_numbers<[0], [0], [1], [1], [0, 1, 1, 1], [], []>, precision = #tpu.contract_precision<fp32>, transpose_lhs_hint = false} : vector<1x128xf32>, vector<1x128xf32>, vector<128x128xf32> -> vector<128x128xf32>
    %slice3A_64 = vector.extract_strided_slice %rsqrt3A {offsets = [9, 0], sizes = [1, 128], strides = [1, 1]} : vector<16x128xf32> to vector<1x128xf32>
    %get3A_65 = arith.constant 0 : index
    %get3A_66 = arith.constant 0 : index
    %get3A_67 = vector.load %arg3[%get3A_65, %get3A_66] : memref<1x128xf32, #tpu.memory_space<vmem>>, vector<1x128xf32>
    %dot_general3A_68 = arith.constant dense<0.000000e+00> : vector<128x128xf32>
    %dot_general3A_69 = tpu.matmul %slice3A_64, %get3A_67, %dot_general3A_68 {dimension_numbers = #tpu.dot_dimension_numbers<[0], [0], [1], [1], [0, 1, 1, 1], [], []>, precision = #tpu.contract_precision<fp32>, transpose_lhs_hint = false} : vector<1x128xf32>, vector<1x128xf32>, vector<128x128xf32> -> vector<128x128xf32>
    %slice3A_70 = vector.extract_strided_slice %rsqrt3A {offsets = [10, 0], sizes = [1, 128], strides = [1, 1]} : vector<16x128xf32> to vector<1x128xf32>
    %get3A_71 = arith.constant 0 : index
    %get3A_72 = arith.constant 0 : index
    %get3A_73 = vector.load %arg3[%get3A_71, %get3A_72] : memref<1x128xf32, #tpu.memory_space<vmem>>, vector<1x128xf32>
    %dot_general3A_74 = arith.constant dense<0.000000e+00> : vector<128x128xf32>
    %dot_general3A_75 = tpu.matmul %slice3A_70, %get3A_73, %dot_general3A_74 {dimension_numbers = #tpu.dot_dimension_numbers<[0], [0], [1], [1], [0, 1, 1, 1], [], []>, precision = #tpu.contract_precision<fp32>, transpose_lhs_hint = false} : vector<1x128xf32>, vector<1x128xf32>, vector<128x128xf32> -> vector<128x128xf32>
    %slice3A_76 = vector.extract_strided_slice %rsqrt3A {offsets = [11, 0], sizes = [1, 128], strides = [1, 1]} : vector<16x128xf32> to vector<1x128xf32>
    %get3A_77 = arith.constant 0 : index
    %get3A_78 = arith.constant 0 : index
    %get3A_79 = vector.load %arg3[%get3A_77, %get3A_78] : memref<1x128xf32, #tpu.memory_space<vmem>>, vector<1x128xf32>
    %dot_general3A_80 = arith.constant dense<0.000000e+00> : vector<128x128xf32>
    %dot_general3A_81 = tpu.matmul %slice3A_76, %get3A_79, %dot_general3A_80 {dimension_numbers = #tpu.dot_dimension_numbers<[0], [0], [1], [1], [0, 1, 1, 1], [], []>, precision = #tpu.contract_precision<fp32>, transpose_lhs_hint = false} : vector<1x128xf32>, vector<1x128xf32>, vector<128x128xf32> -> vector<128x128xf32>
    %slice3A_82 = vector.extract_strided_slice %rsqrt3A {offsets = [12, 0], sizes = [1, 128], strides = [1, 1]} : vector<16x128xf32> to vector<1x128xf32>
    %get3A_83 = arith.constant 0 : index
    %get3A_84 = arith.constant 0 : index
    %get3A_85 = vector.load %arg3[%get3A_83, %get3A_84] : memref<1x128xf32, #tpu.memory_space<vmem>>, vector<1x128xf32>
    %dot_general3A_86 = arith.constant dense<0.000000e+00> : vector<128x128xf32>
    %dot_general3A_87 = tpu.matmul %slice3A_82, %get3A_85, %dot_general3A_86 {dimension_numbers = #tpu.dot_dimension_numbers<[0], [0], [1], [1], [0, 1, 1, 1], [], []>, precision = #tpu.contract_precision<fp32>, transpose_lhs_hint = false} : vector<1x128xf32>, vector<1x128xf32>, vector<128x128xf32> -> vector<128x128xf32>
    %slice3A_88 = vector.extract_strided_slice %rsqrt3A {offsets = [13, 0], sizes = [1, 128], strides = [1, 1]} : vector<16x128xf32> to vector<1x128xf32>
    %get3A_89 = arith.constant 0 : index
    %get3A_90 = arith.constant 0 : index
    %get3A_91 = vector.load %arg3[%get3A_89, %get3A_90] : memref<1x128xf32, #tpu.memory_space<vmem>>, vector<1x128xf32>
    %dot_general3A_92 = arith.constant dense<0.000000e+00> : vector<128x128xf32>
    %dot_general3A_93 = tpu.matmul %slice3A_88, %get3A_91, %dot_general3A_92 {dimension_numbers = #tpu.dot_dimension_numbers<[0], [0], [1], [1], [0, 1, 1, 1], [], []>, precision = #tpu.contract_precision<fp32>, transpose_lhs_hint = false} : vector<1x128xf32>, vector<1x128xf32>, vector<128x128xf32> -> vector<128x128xf32>
    %slice3A_94 = vector.extract_strided_slice %rsqrt3A {offsets = [14, 0], sizes = [1, 128], strides = [1, 1]} : vector<16x128xf32> to vector<1x128xf32>
    %get3A_95 = arith.constant 0 : index
    %get3A_96 = arith.constant 0 : index
    %get3A_97 = vector.load %arg3[%get3A_95, %get3A_96] : memref<1x128xf32, #tpu.memory_space<vmem>>, vector<1x128xf32>
    %dot_general3A_98 = arith.constant dense<0.000000e+00> : vector<128x128xf32>
    %dot_general3A_99 = tpu.matmul %slice3A_94, %get3A_97, %dot_general3A_98 {dimension_numbers = #tpu.dot_dimension_numbers<[0], [0], [1], [1], [0, 1, 1, 1], [], []>, precision = #tpu.contract_precision<fp32>, transpose_lhs_hint = false} : vector<1x128xf32>, vector<1x128xf32>, vector<128x128xf32> -> vector<128x128xf32>
    %slice3A_100 = vector.extract_strided_slice %rsqrt3A {offsets = [15, 0], sizes = [1, 128], strides = [1, 1]} : vector<16x128xf32> to vector<1x128xf32>
    %get3A_101 = arith.constant 0 : index
    %get3A_102 = arith.constant 0 : index
    %get3A_103 = vector.load %arg3[%get3A_101, %get3A_102] : memref<1x128xf32, #tpu.memory_space<vmem>>, vector<1x128xf32>
    %dot_general3A_104 = arith.constant dense<0.000000e+00> : vector<128x128xf32>
    %dot_general3A_105 = tpu.matmul %slice3A_100, %get3A_103, %dot_general3A_104 {dimension_numbers = #tpu.dot_dimension_numbers<[0], [0], [1], [1], [0, 1, 1, 1], [], []>, precision = #tpu.contract_precision<fp32>, transpose_lhs_hint = false} : vector<1x128xf32>, vector<1x128xf32>, vector<128x128xf32> -> vector<128x128xf32>
    %concatenate3A = tpu.concatenate %dot_general3A_15, %dot_general3A_21, %dot_general3A_27, %dot_general3A_33, %dot_general3A_39, %dot_general3A_45, %dot_general3A_51, %dot_general3A_57, %dot_general3A_63, %dot_general3A_69, %dot_general3A_75, %dot_general3A_81, %dot_general3A_87, %dot_general3A_93, %dot_general3A_99, %dot_general3A_105 in 0 : vector<128x128xf32>, vector<128x128xf32>, vector<128x128xf32>, vector<128x128xf32>, vector<128x128xf32>, vector<128x128xf32>, vector<128x128xf32>, vector<128x128xf32>, vector<128x128xf32>, vector<128x128xf32>, vector<128x128xf32>, vector<128x128xf32>, vector<128x128xf32>, vector<128x128xf32>, vector<128x128xf32>, vector<128x128xf32> -> vector<2048x128xf32>
    %get3A_106 = arith.constant 0 : index
    %get3A_107 = arith.constant 0 : index
    %get3A_108 = vector.load %arg4[%get3A_106, %get3A_107] : memref<2048x128xf32, #tpu.memory_space<vmem>>, vector<2048x128xf32>
    %get3A_109 = arith.constant 0 : index
    %get3A_110 = arith.constant 0 : index
    %get3A_111 = vector.load %arg5[%get3A_109, %get3A_110] : memref<128x128xf32, #tpu.memory_space<vmem>>, vector<128x128xf32>
    %dot_general3A_112 = arith.constant dense<0.000000e+00> : vector<2048x128xf32>
    %dot_general3A_113 = tpu.matmul %get3A_108, %get3A_111, %dot_general3A_112 {dimension_numbers = #tpu.dot_dimension_numbers<[1], [0], [0], [1], [0, 0, 1, 1], [], []>, transpose_lhs_hint = false} : vector<2048x128xf32>, vector<128x128xf32>, vector<2048x128xf32> -> vector<2048x128xf32>
    %mul3A = arith.mulf %dot_general3A_113, %concatenate3A : vector<2048x128xf32>
    %iota3A = tpu.iota {dimensions = array<i32: 0>} : vector<2048x1xi32>
    %mul3A_114 = arith.constant 2048 : i32
    %mul3A_115 = arith.muli %arg0, %mul3A_114 : i32
    %sub3A = arith.constant 10000 : i32
    %sub3A_116 = arith.subi %sub3A, %mul3A_115 : i32
    %lt3A = vector.broadcast %sub3A_116 : i32 to vector<2048x1xi32>
    %lt3A_117 = arith.cmpi slt, %iota3A, %lt3A : vector<2048x1xi32>
    %jit3A = arith.constant 0.000000e+00 : f32
    %broadcast_in_dim3A = vector.shape_cast %lt3A_117 : vector<2048x1xi1> to vector<2048x1xi1>
    %broadcast_in_dim3A_118 = vector.broadcast %broadcast_in_dim3A : vector<2048x1xi1> to vector<2048x128xi1>
    %broadcast_in_dim3A_119 = vector.broadcast %jit3A : f32 to vector<2048x128xf32>
    %select_n3A = arith.select %broadcast_in_dim3A_118, %mul3A, %broadcast_in_dim3A_119 : vector<2048x128xi1>, vector<2048x128xf32>
    %swap3A = arith.constant 0 : index
    %swap3A_120 = arith.constant 0 : index
    %swap3A_121 = vector.load %arg6[%swap3A, %swap3A_120] : memref<2048x128xf32, #tpu.memory_space<vmem>>, vector<2048x128xf32>
    tpu.vector_store %arg6[%swap3A, %swap3A_120], %select_n3A {strides = array<i32>} : memref<2048x128xf32, #tpu.memory_space<vmem>>, vector<2048x128xf32>,
    return
  }
  func.func @transform_0(%arg0: i32) -> (i32, i32, i32) {
    %c0_i32 = arith.constant 0 : i32
    %c0_i32_0 = arith.constant 0 : i32
    %c0_i32_1 = arith.constant 0 : i32
    return %c0_i32, %arg0, %c0_i32_0 : i32, i32, i32
  }
  func.func @transform_1(%arg0: i32) -> (i32, i32, i32) {
    %c1_i32 = arith.constant 1 : i32
    %c0_i32 = arith.constant 0 : i32
    %c0_i32_0 = arith.constant 0 : i32
    return %c1_i32, %arg0, %c0_i32 : i32, i32, i32
  }
  func.func @transform_2(%arg0: i32) -> (i32, i32) {
    %c0_i32 = arith.constant 0 : i32
    %c0_i32_0 = arith.constant 0 : i32
    %c0_i32_1 = arith.constant 0 : i32
    return %c0_i32, %c0_i32_0 : i32, i32
  }
  func.func @transform_3(%arg0: i32) -> (i32, i32) {
    %c0_i32 = arith.constant 0 : i32
    %c0_i32_0 = arith.constant 0 : i32
    return %arg0, %c0_i32 : i32, i32
  }
  func.func @transform_4(%arg0: i32) -> (i32, i32) {
    %c0_i32 = arith.constant 0 : i32
    %c0_i32_0 = arith.constant 0 : i32
    %c0_i32_1 = arith.constant 0 : i32
    return %c0_i32, %c0_i32_0 : i32, i32
  }
  func.func @transform_5(%arg0: i32) -> (i32, i32) {
    %c0_i32 = arith.constant 0 : i32
    %c0_i32_0 = arith.constant 0 : i32
    return %arg0, %c0_i32 : i32, i32
  }
}

module attributes {stable_mosaic.version = 14 : i64} {
  func.func @_mid_body(%arg0: i32, %arg1: memref<1x16x128xf32, #tpu.memory_space<vmem>>, %arg2: memref<1x16x128xf32, #tpu.memory_space<vmem>>, %arg3: memref<1x128xf32, #tpu.memory_space<vmem>>, %arg4: memref<1x2048x128xf32, #tpu.memory_space<vmem>>, %arg5: memref<1x2048x128xf32, #tpu.memory_space<vmem>>, %arg6: memref<2048x128xf32, #tpu.memory_space<vmem>>, %arg7: memref<1x128xf32, #tpu.memory_space<vmem>>, %arg8: memref<128x128xf32, #tpu.memory_space<vmem>>, %arg9: memref<2048x128xf32, #tpu.memory_space<vmem>>) attributes {dimension_semantics = [#tpu.dimension_semantics<arbitrary>], iteration_bounds = array<i64: 5>, scalar_prefetch = 0 : i64, scratch_operands = 0 : i64, tpu.core_type = #tpu.core_type<tc>, window_params = [{transform_indices = @transform_0, window_bounds = array<i64: 1, 16, 128>}, {transform_indices = @transform_1, window_bounds = array<i64: 1, 16, 128>}, {pipeline_mode = #tpu.pipeline_mode<synchronous>, transform_indices = @transform_2, window_bounds = array<i64: 1, 128>}, {transform_indices = @transform_3, window_bounds = array<i64: 1, 2048, 128>}, {transform_indices = @transform_4, window_bounds = array<i64: 1, 2048, 128>}, {transform_indices = @transform_5, window_bounds = array<i64: 2048, 128>}, {pipeline_mode = #tpu.pipeline_mode<synchronous>, transform_indices = @transform_6, window_bounds = array<i64: 1, 128>}, {pipeline_mode = #tpu.pipeline_mode<synchronous>, transform_indices = @transform_7, window_bounds = array<i64: 128, 128>}, {transform_indices = @transform_8, window_bounds = array<i64: 2048, 128>}]} {
    %get3A = arith.constant 0 : index
    %get3A_0 = arith.constant 0 : index
    %get3A_1 = arith.constant 0 : index
    %get3A_2 = vector.load %arg1[%get3A, %get3A_0, %get3A_1] : memref<1x16x128xf32, #tpu.memory_space<vmem>>, vector<1x16x128xf32>
    %get3A_3 = vector.shape_cast %get3A_2 : vector<1x16x128xf32> to vector<16x128xf32>
    %get3A_4 = arith.constant 0 : index
    %get3A_5 = arith.constant 0 : index
    %get3A_6 = arith.constant 0 : index
    %get3A_7 = vector.load %arg2[%get3A_4, %get3A_5, %get3A_6] : memref<1x16x128xf32, #tpu.memory_space<vmem>>, vector<1x16x128xf32>
    %get3A_8 = vector.shape_cast %get3A_7 : vector<1x16x128xf32> to vector<16x128xf32>
    %add3A = arith.addf %get3A_3, %get3A_8 : vector<16x128xf32>
    %add3A_9 = arith.constant 1.000000e+00 : f32
    %add3A_10 = vector.broadcast %add3A_9 : f32 to vector<16x128xf32>
    %add3A_11 = arith.addf %add3A, %add3A_10 : vector<16x128xf32>
    %rsqrt3A = math.rsqrt %add3A_11 : vector<16x128xf32>
    %slice3A = vector.extract_strided_slice %rsqrt3A {offsets = [0, 0], sizes = [1, 128], strides = [1, 1]} : vector<16x128xf32> to vector<1x128xf32>
    %get3A_12 = arith.constant 0 : index
    %get3A_13 = arith.constant 0 : index
    %get3A_14 = vector.load %arg3[%get3A_12, %get3A_13] : memref<1x128xf32, #tpu.memory_space<vmem>>, vector<1x128xf32>
    %dot_general3A = arith.constant dense<0.000000e+00> : vector<128x128xf32>
    %dot_general3A_15 = tpu.matmul %slice3A, %get3A_14, %dot_general3A {dimension_numbers = #tpu.dot_dimension_numbers<[0], [0], [1], [1], [0, 1, 1, 1], [], []>, precision = #tpu.contract_precision<fp32>, transpose_lhs_hint = false} : vector<1x128xf32>, vector<1x128xf32>, vector<128x128xf32> -> vector<128x128xf32>
    %slice3A_16 = vector.extract_strided_slice %rsqrt3A {offsets = [1, 0], sizes = [1, 128], strides = [1, 1]} : vector<16x128xf32> to vector<1x128xf32>
    %get3A_17 = arith.constant 0 : index
    %get3A_18 = arith.constant 0 : index
    %get3A_19 = vector.load %arg3[%get3A_17, %get3A_18] : memref<1x128xf32, #tpu.memory_space<vmem>>, vector<1x128xf32>
    %dot_general3A_20 = arith.constant dense<0.000000e+00> : vector<128x128xf32>
    %dot_general3A_21 = tpu.matmul %slice3A_16, %get3A_19, %dot_general3A_20 {dimension_numbers = #tpu.dot_dimension_numbers<[0], [0], [1], [1], [0, 1, 1, 1], [], []>, precision = #tpu.contract_precision<fp32>, transpose_lhs_hint = false} : vector<1x128xf32>, vector<1x128xf32>, vector<128x128xf32> -> vector<128x128xf32>
    %slice3A_22 = vector.extract_strided_slice %rsqrt3A {offsets = [2, 0], sizes = [1, 128], strides = [1, 1]} : vector<16x128xf32> to vector<1x128xf32>
    %get3A_23 = arith.constant 0 : index
    %get3A_24 = arith.constant 0 : index
    %get3A_25 = vector.load %arg3[%get3A_23, %get3A_24] : memref<1x128xf32, #tpu.memory_space<vmem>>, vector<1x128xf32>
    %dot_general3A_26 = arith.constant dense<0.000000e+00> : vector<128x128xf32>
    %dot_general3A_27 = tpu.matmul %slice3A_22, %get3A_25, %dot_general3A_26 {dimension_numbers = #tpu.dot_dimension_numbers<[0], [0], [1], [1], [0, 1, 1, 1], [], []>, precision = #tpu.contract_precision<fp32>, transpose_lhs_hint = false} : vector<1x128xf32>, vector<1x128xf32>, vector<128x128xf32> -> vector<128x128xf32>
    %slice3A_28 = vector.extract_strided_slice %rsqrt3A {offsets = [3, 0], sizes = [1, 128], strides = [1, 1]} : vector<16x128xf32> to vector<1x128xf32>
    %get3A_29 = arith.constant 0 : index
    %get3A_30 = arith.constant 0 : index
    %get3A_31 = vector.load %arg3[%get3A_29, %get3A_30] : memref<1x128xf32, #tpu.memory_space<vmem>>, vector<1x128xf32>
    %dot_general3A_32 = arith.constant dense<0.000000e+00> : vector<128x128xf32>
    %dot_general3A_33 = tpu.matmul %slice3A_28, %get3A_31, %dot_general3A_32 {dimension_numbers = #tpu.dot_dimension_numbers<[0], [0], [1], [1], [0, 1, 1, 1], [], []>, precision = #tpu.contract_precision<fp32>, transpose_lhs_hint = false} : vector<1x128xf32>, vector<1x128xf32>, vector<128x128xf32> -> vector<128x128xf32>
    %slice3A_34 = vector.extract_strided_slice %rsqrt3A {offsets = [4, 0], sizes = [1, 128], strides = [1, 1]} : vector<16x128xf32> to vector<1x128xf32>
    %get3A_35 = arith.constant 0 : index
    %get3A_36 = arith.constant 0 : index
    %get3A_37 = vector.load %arg3[%get3A_35, %get3A_36] : memref<1x128xf32, #tpu.memory_space<vmem>>, vector<1x128xf32>
    %dot_general3A_38 = arith.constant dense<0.000000e+00> : vector<128x128xf32>
    %dot_general3A_39 = tpu.matmul %slice3A_34, %get3A_37, %dot_general3A_38 {dimension_numbers = #tpu.dot_dimension_numbers<[0], [0], [1], [1], [0, 1, 1, 1], [], []>, precision = #tpu.contract_precision<fp32>, transpose_lhs_hint = false} : vector<1x128xf32>, vector<1x128xf32>, vector<128x128xf32> -> vector<128x128xf32>
    %slice3A_40 = vector.extract_strided_slice %rsqrt3A {offsets = [5, 0], sizes = [1, 128], strides = [1, 1]} : vector<16x128xf32> to vector<1x128xf32>
    %get3A_41 = arith.constant 0 : index
    %get3A_42 = arith.constant 0 : index
    %get3A_43 = vector.load %arg3[%get3A_41, %get3A_42] : memref<1x128xf32, #tpu.memory_space<vmem>>, vector<1x128xf32>
    %dot_general3A_44 = arith.constant dense<0.000000e+00> : vector<128x128xf32>
    %dot_general3A_45 = tpu.matmul %slice3A_40, %get3A_43, %dot_general3A_44 {dimension_numbers = #tpu.dot_dimension_numbers<[0], [0], [1], [1], [0, 1, 1, 1], [], []>, precision = #tpu.contract_precision<fp32>, transpose_lhs_hint = false} : vector<1x128xf32>, vector<1x128xf32>, vector<128x128xf32> -> vector<128x128xf32>
    %slice3A_46 = vector.extract_strided_slice %rsqrt3A {offsets = [6, 0], sizes = [1, 128], strides = [1, 1]} : vector<16x128xf32> to vector<1x128xf32>
    %get3A_47 = arith.constant 0 : index
    %get3A_48 = arith.constant 0 : index
    %get3A_49 = vector.load %arg3[%get3A_47, %get3A_48] : memref<1x128xf32, #tpu.memory_space<vmem>>, vector<1x128xf32>
    %dot_general3A_50 = arith.constant dense<0.000000e+00> : vector<128x128xf32>
    %dot_general3A_51 = tpu.matmul %slice3A_46, %get3A_49, %dot_general3A_50 {dimension_numbers = #tpu.dot_dimension_numbers<[0], [0], [1], [1], [0, 1, 1, 1], [], []>, precision = #tpu.contract_precision<fp32>, transpose_lhs_hint = false} : vector<1x128xf32>, vector<1x128xf32>, vector<128x128xf32> -> vector<128x128xf32>
    %slice3A_52 = vector.extract_strided_slice %rsqrt3A {offsets = [7, 0], sizes = [1, 128], strides = [1, 1]} : vector<16x128xf32> to vector<1x128xf32>
    %get3A_53 = arith.constant 0 : index
    %get3A_54 = arith.constant 0 : index
    %get3A_55 = vector.load %arg3[%get3A_53, %get3A_54] : memref<1x128xf32, #tpu.memory_space<vmem>>, vector<1x128xf32>
    %dot_general3A_56 = arith.constant dense<0.000000e+00> : vector<128x128xf32>
    %dot_general3A_57 = tpu.matmul %slice3A_52, %get3A_55, %dot_general3A_56 {dimension_numbers = #tpu.dot_dimension_numbers<[0], [0], [1], [1], [0, 1, 1, 1], [], []>, precision = #tpu.contract_precision<fp32>, transpose_lhs_hint = false} : vector<1x128xf32>, vector<1x128xf32>, vector<128x128xf32> -> vector<128x128xf32>
    %slice3A_58 = vector.extract_strided_slice %rsqrt3A {offsets = [8, 0], sizes = [1, 128], strides = [1, 1]} : vector<16x128xf32> to vector<1x128xf32>
    %get3A_59 = arith.constant 0 : index
    %get3A_60 = arith.constant 0 : index
    %get3A_61 = vector.load %arg3[%get3A_59, %get3A_60] : memref<1x128xf32, #tpu.memory_space<vmem>>, vector<1x128xf32>
    %dot_general3A_62 = arith.constant dense<0.000000e+00> : vector<128x128xf32>
    %dot_general3A_63 = tpu.matmul %slice3A_58, %get3A_61, %dot_general3A_62 {dimension_numbers = #tpu.dot_dimension_numbers<[0], [0], [1], [1], [0, 1, 1, 1], [], []>, precision = #tpu.contract_precision<fp32>, transpose_lhs_hint = false} : vector<1x128xf32>, vector<1x128xf32>, vector<128x128xf32> -> vector<128x128xf32>
    %slice3A_64 = vector.extract_strided_slice %rsqrt3A {offsets = [9, 0], sizes = [1, 128], strides = [1, 1]} : vector<16x128xf32> to vector<1x128xf32>
    %get3A_65 = arith.constant 0 : index
    %get3A_66 = arith.constant 0 : index
    %get3A_67 = vector.load %arg3[%get3A_65, %get3A_66] : memref<1x128xf32, #tpu.memory_space<vmem>>, vector<1x128xf32>
    %dot_general3A_68 = arith.constant dense<0.000000e+00> : vector<128x128xf32>
    %dot_general3A_69 = tpu.matmul %slice3A_64, %get3A_67, %dot_general3A_68 {dimension_numbers = #tpu.dot_dimension_numbers<[0], [0], [1], [1], [0, 1, 1, 1], [], []>, precision = #tpu.contract_precision<fp32>, transpose_lhs_hint = false} : vector<1x128xf32>, vector<1x128xf32>, vector<128x128xf32> -> vector<128x128xf32>
    %slice3A_70 = vector.extract_strided_slice %rsqrt3A {offsets = [10, 0], sizes = [1, 128], strides = [1, 1]} : vector<16x128xf32> to vector<1x128xf32>
    %get3A_71 = arith.constant 0 : index
    %get3A_72 = arith.constant 0 : index
    %get3A_73 = vector.load %arg3[%get3A_71, %get3A_72] : memref<1x128xf32, #tpu.memory_space<vmem>>, vector<1x128xf32>
    %dot_general3A_74 = arith.constant dense<0.000000e+00> : vector<128x128xf32>
    %dot_general3A_75 = tpu.matmul %slice3A_70, %get3A_73, %dot_general3A_74 {dimension_numbers = #tpu.dot_dimension_numbers<[0], [0], [1], [1], [0, 1, 1, 1], [], []>, precision = #tpu.contract_precision<fp32>, transpose_lhs_hint = false} : vector<1x128xf32>, vector<1x128xf32>, vector<128x128xf32> -> vector<128x128xf32>
    %slice3A_76 = vector.extract_strided_slice %rsqrt3A {offsets = [11, 0], sizes = [1, 128], strides = [1, 1]} : vector<16x128xf32> to vector<1x128xf32>
    %get3A_77 = arith.constant 0 : index
    %get3A_78 = arith.constant 0 : index
    %get3A_79 = vector.load %arg3[%get3A_77, %get3A_78] : memref<1x128xf32, #tpu.memory_space<vmem>>, vector<1x128xf32>
    %dot_general3A_80 = arith.constant dense<0.000000e+00> : vector<128x128xf32>
    %dot_general3A_81 = tpu.matmul %slice3A_76, %get3A_79, %dot_general3A_80 {dimension_numbers = #tpu.dot_dimension_numbers<[0], [0], [1], [1], [0, 1, 1, 1], [], []>, precision = #tpu.contract_precision<fp32>, transpose_lhs_hint = false} : vector<1x128xf32>, vector<1x128xf32>, vector<128x128xf32> -> vector<128x128xf32>
    %slice3A_82 = vector.extract_strided_slice %rsqrt3A {offsets = [12, 0], sizes = [1, 128], strides = [1, 1]} : vector<16x128xf32> to vector<1x128xf32>
    %get3A_83 = arith.constant 0 : index
    %get3A_84 = arith.constant 0 : index
    %get3A_85 = vector.load %arg3[%get3A_83, %get3A_84] : memref<1x128xf32, #tpu.memory_space<vmem>>, vector<1x128xf32>
    %dot_general3A_86 = arith.constant dense<0.000000e+00> : vector<128x128xf32>
    %dot_general3A_87 = tpu.matmul %slice3A_82, %get3A_85, %dot_general3A_86 {dimension_numbers = #tpu.dot_dimension_numbers<[0], [0], [1], [1], [0, 1, 1, 1], [], []>, precision = #tpu.contract_precision<fp32>, transpose_lhs_hint = false} : vector<1x128xf32>, vector<1x128xf32>, vector<128x128xf32> -> vector<128x128xf32>
    %slice3A_88 = vector.extract_strided_slice %rsqrt3A {offsets = [13, 0], sizes = [1, 128], strides = [1, 1]} : vector<16x128xf32> to vector<1x128xf32>
    %get3A_89 = arith.constant 0 : index
    %get3A_90 = arith.constant 0 : index
    %get3A_91 = vector.load %arg3[%get3A_89, %get3A_90] : memref<1x128xf32, #tpu.memory_space<vmem>>, vector<1x128xf32>
    %dot_general3A_92 = arith.constant dense<0.000000e+00> : vector<128x128xf32>
    %dot_general3A_93 = tpu.matmul %slice3A_88, %get3A_91, %dot_general3A_92 {dimension_numbers = #tpu.dot_dimension_numbers<[0], [0], [1], [1], [0, 1, 1, 1], [], []>, precision = #tpu.contract_precision<fp32>, transpose_lhs_hint = false} : vector<1x128xf32>, vector<1x128xf32>, vector<128x128xf32> -> vector<128x128xf32>
    %slice3A_94 = vector.extract_strided_slice %rsqrt3A {offsets = [14, 0], sizes = [1, 128], strides = [1, 1]} : vector<16x128xf32> to vector<1x128xf32>
    %get3A_95 = arith.constant 0 : index
    %get3A_96 = arith.constant 0 : index
    %get3A_97 = vector.load %arg3[%get3A_95, %get3A_96] : memref<1x128xf32, #tpu.memory_space<vmem>>, vector<1x128xf32>
    %dot_general3A_98 = arith.constant dense<0.000000e+00> : vector<128x128xf32>
    %dot_general3A_99 = tpu.matmul %slice3A_94, %get3A_97, %dot_general3A_98 {dimension_numbers = #tpu.dot_dimension_numbers<[0], [0], [1], [1], [0, 1, 1, 1], [], []>, precision = #tpu.contract_precision<fp32>, transpose_lhs_hint = false} : vector<1x128xf32>, vector<1x128xf32>, vector<128x128xf32> -> vector<128x128xf32>
    %slice3A_100 = vector.extract_strided_slice %rsqrt3A {offsets = [15, 0], sizes = [1, 128], strides = [1, 1]} : vector<16x128xf32> to vector<1x128xf32>
    %get3A_101 = arith.constant 0 : index
    %get3A_102 = arith.constant 0 : index
    %get3A_103 = vector.load %arg3[%get3A_101, %get3A_102] : memref<1x128xf32, #tpu.memory_space<vmem>>, vector<1x128xf32>
    %dot_general3A_104 = arith.constant dense<0.000000e+00> : vector<128x128xf32>
    %dot_general3A_105 = tpu.matmul %slice3A_100, %get3A_103, %dot_general3A_104 {dimension_numbers = #tpu.dot_dimension_numbers<[0], [0], [1], [1], [0, 1, 1, 1], [], []>, precision = #tpu.contract_precision<fp32>, transpose_lhs_hint = false} : vector<1x128xf32>, vector<1x128xf32>, vector<128x128xf32> -> vector<128x128xf32>
    %concatenate3A = tpu.concatenate %dot_general3A_15, %dot_general3A_21, %dot_general3A_27, %dot_general3A_33, %dot_general3A_39, %dot_general3A_45, %dot_general3A_51, %dot_general3A_57, %dot_general3A_63, %dot_general3A_69, %dot_general3A_75, %dot_general3A_81, %dot_general3A_87, %dot_general3A_93, %dot_general3A_99, %dot_general3A_105 in 0 : vector<128x128xf32>, vector<128x128xf32>, vector<128x128xf32>, vector<128x128xf32>, vector<128x128xf32>, vector<128x128xf32>, vector<128x128xf32>, vector<128x128xf32>, vector<128x128xf32>, vector<128x128xf32>, vector<128x128xf32>, vector<128x128xf32>, vector<128x128xf32>, vector<128x128xf32>, vector<128x128xf32>, vector<128x128xf32> -> vector<2048x128xf32>
    %get3A_106 = arith.constant 0 : index
    %get3A_107 = arith.constant 0 : index
    %get3A_108 = arith.constant 0 : index
    %get3A_109 = vector.load %arg4[%get3A_106, %get3A_107, %get3A_108] : memref<1x2048x128xf32, #tpu.memory_space<vmem>>, vector<1x2048x128xf32>
    %get3A_110 = vector.shape_cast %get3A_109 : vector<1x2048x128xf32> to vector<2048x128xf32>
    %get3A_111 = arith.constant 0 : index
    %get3A_112 = arith.constant 0 : index
    %get3A_113 = arith.constant 0 : index
    %get3A_114 = vector.load %arg5[%get3A_111, %get3A_112, %get3A_113] : memref<1x2048x128xf32, #tpu.memory_space<vmem>>, vector<1x2048x128xf32>
    %get3A_115 = vector.shape_cast %get3A_114 : vector<1x2048x128xf32> to vector<2048x128xf32>
    %add3A_116 = arith.addf %get3A_110, %get3A_115 : vector<2048x128xf32>
    %get3A_117 = arith.constant 0 : index
    %get3A_118 = arith.constant 0 : index
    %get3A_119 = vector.load %arg6[%get3A_117, %get3A_118] : memref<2048x128xf32, #tpu.memory_space<vmem>>, vector<2048x128xf32>
    %add3A_120 = arith.addf %add3A_116, %get3A_119 : vector<2048x128xf32>
    %mul3A = arith.mulf %concatenate3A, %add3A_120 : vector<2048x128xf32>
    %get3A_121 = arith.constant 0 : index
    %get3A_122 = arith.constant 0 : index
    %get3A_123 = vector.load %arg7[%get3A_121, %get3A_122] : memref<1x128xf32, #tpu.memory_space<vmem>>, vector<1x128xf32>
    %add3A_124 = vector.broadcast %get3A_123 : vector<1x128xf32> to vector<2048x128xf32>
    %add3A_125 = arith.addf %mul3A, %add3A_124 : vector<2048x128xf32>
    %max3A = arith.constant 0.000000e+00 : f32
    %max3A_126 = vector.broadcast %max3A : f32 to vector<2048x128xf32>
    %max3A_127 = arith.maximumf %add3A_125, %max3A_126 : vector<2048x128xf32>
    %get3A_128 = arith.constant 0 : index
    %get3A_129 = arith.constant 0 : index
    %get3A_130 = vector.load %arg8[%get3A_128, %get3A_129] : memref<128x128xf32, #tpu.memory_space<vmem>>, vector<128x128xf32>
    %dot_general3A_131 = arith.constant dense<0.000000e+00> : vector<2048x128xf32>
    %dot_general3A_132 = tpu.matmul %max3A_127, %get3A_130, %dot_general3A_131 {dimension_numbers = #tpu.dot_dimension_numbers<[1], [0], [0], [1], [0, 0, 1, 1], [], []>, transpose_lhs_hint = false} : vector<2048x128xf32>, vector<128x128xf32>, vector<2048x128xf32> -> vector<2048x128xf32>
    %mul3A_133 = arith.mulf %concatenate3A, %dot_general3A_132 : vector<2048x128xf32>
    %iota3A = tpu.iota {dimensions = array<i32: 0>} : vector<2048x1xi32>
    %mul3A_134 = arith.constant 2048 : i32
    %mul3A_135 = arith.muli %arg0, %mul3A_134 : i32
    %sub3A = arith.constant 10000 : i32
    %sub3A_136 = arith.subi %sub3A, %mul3A_135 : i32
    %lt3A = vector.broadcast %sub3A_136 : i32 to vector<2048x1xi32>
    %lt3A_137 = arith.cmpi slt, %iota3A, %lt3A : vector<2048x1xi32>
    %jit3A = arith.constant 0.000000e+00 : f32
    %broadcast_in_dim3A = vector.shape_cast %lt3A_137 : vector<2048x1xi1> to vector<2048x1xi1>
    %broadcast_in_dim3A_138 = vector.broadcast %broadcast_in_dim3A : vector<2048x1xi1> to vector<2048x128xi1>
    %broadcast_in_dim3A_139 = vector.broadcast %jit3A : f32 to vector<2048x128xf32>
    %select_n3A = arith.select %broadcast_in_dim3A_138, %mul3A_133, %broadcast_in_dim3A_139 : vector<2048x128xi1>, vector<2048x128xf32>
    %swap3A = arith.constant 0 : index
    %swap3A_140 = arith.constant 0 : index
    %swap3A_141 = vector.load %arg9[%swap3A, %swap3A_140] : memref<2048x128xf32, #tpu.memory_space<vmem>>, vector<2048x128xf32>
    tpu.vector_store %arg9[%swap3A, %swap3A_140], %select_n3A {strides = array<i32>} : memref<2048x128xf32, #tpu.memory_space<vmem>>, vector<2048x128xf32>,
    return
  }
  func.func @transform_0(%arg0: i32) -> (i32, i32, i32) {
    %c0_i32 = arith.constant 0 : i32
    %c0_i32_0 = arith.constant 0 : i32
    %c0_i32_1 = arith.constant 0 : i32
    return %c0_i32, %arg0, %c0_i32_0 : i32, i32, i32
  }
  func.func @transform_1(%arg0: i32) -> (i32, i32, i32) {
    %c1_i32 = arith.constant 1 : i32
    %c0_i32 = arith.constant 0 : i32
    %c0_i32_0 = arith.constant 0 : i32
    return %c1_i32, %arg0, %c0_i32 : i32, i32, i32
  }
  func.func @transform_2(%arg0: i32) -> (i32, i32) {
    %c0_i32 = arith.constant 0 : i32
    %c0_i32_0 = arith.constant 0 : i32
    %c0_i32_1 = arith.constant 0 : i32
    return %c0_i32, %c0_i32_0 : i32, i32
  }
  func.func @transform_3(%arg0: i32) -> (i32, i32, i32) {
    %c0_i32 = arith.constant 0 : i32
    %c0_i32_0 = arith.constant 0 : i32
    %c0_i32_1 = arith.constant 0 : i32
    return %c0_i32, %arg0, %c0_i32_0 : i32, i32, i32
  }
  func.func @transform_4(%arg0: i32) -> (i32, i32, i32) {
    %c1_i32 = arith.constant 1 : i32
    %c0_i32 = arith.constant 0 : i32
    %c0_i32_0 = arith.constant 0 : i32
    return %c1_i32, %arg0, %c0_i32 : i32, i32, i32
  }
  func.func @transform_5(%arg0: i32) -> (i32, i32) {
    %c0_i32 = arith.constant 0 : i32
    %c0_i32_0 = arith.constant 0 : i32
    return %arg0, %c0_i32 : i32, i32
  }
  func.func @transform_6(%arg0: i32) -> (i32, i32) {
    %c0_i32 = arith.constant 0 : i32
    %c0_i32_0 = arith.constant 0 : i32
    %c0_i32_1 = arith.constant 0 : i32
    return %c0_i32, %c0_i32_0 : i32, i32
  }
  func.func @transform_7(%arg0: i32) -> (i32, i32) {
    %c0_i32 = arith.constant 0 : i32
    %c0_i32_0 = arith.constant 0 : i32
    %c0_i32_1 = arith.constant 0 : i32
    return %c0_i32, %c0_i32_0 : i32, i32
  }
  func.func @transform_8(%arg0: i32) -> (i32, i32) {
    %c0_i32 = arith.constant 0 : i32
    %c0_i32_0 = arith.constant 0 : i32
    return %arg0, %c0_i32 : i32, i32
  }
}

module attributes {stable_mosaic.version = 14 : i64} {
  func.func @_fin_body(%arg0: i32, %arg1: memref<1x16x128xf32, #tpu.memory_space<vmem>>, %arg2: memref<1x16x128xf32, #tpu.memory_space<vmem>>, %arg3: memref<1x128xf32, #tpu.memory_space<vmem>>, %arg4: memref<1x2048x128xf32, #tpu.memory_space<vmem>>, %arg5: memref<1x2048x128xf32, #tpu.memory_space<vmem>>, %arg6: memref<2048x128xf32, #tpu.memory_space<vmem>>, %arg7: memref<1x128xf32, #tpu.memory_space<vmem>>, %arg8: memref<2048x128xf32, #tpu.memory_space<vmem>>) attributes {dimension_semantics = [#tpu.dimension_semantics<arbitrary>], iteration_bounds = array<i64: 5>, scalar_prefetch = 0 : i64, scratch_operands = 0 : i64, tpu.core_type = #tpu.core_type<tc>, window_params = [{transform_indices = @transform_0, window_bounds = array<i64: 1, 16, 128>}, {transform_indices = @transform_1, window_bounds = array<i64: 1, 16, 128>}, {pipeline_mode = #tpu.pipeline_mode<synchronous>, transform_indices = @transform_2, window_bounds = array<i64: 1, 128>}, {transform_indices = @transform_3, window_bounds = array<i64: 1, 2048, 128>}, {transform_indices = @transform_4, window_bounds = array<i64: 1, 2048, 128>}, {transform_indices = @transform_5, window_bounds = array<i64: 2048, 128>}, {pipeline_mode = #tpu.pipeline_mode<synchronous>, transform_indices = @transform_6, window_bounds = array<i64: 1, 128>}, {transform_indices = @transform_7, window_bounds = array<i64: 2048, 128>}]} {
    %get3A = arith.constant 0 : index
    %get3A_0 = arith.constant 0 : index
    %get3A_1 = arith.constant 0 : index
    %get3A_2 = vector.load %arg1[%get3A, %get3A_0, %get3A_1] : memref<1x16x128xf32, #tpu.memory_space<vmem>>, vector<1x16x128xf32>
    %get3A_3 = vector.shape_cast %get3A_2 : vector<1x16x128xf32> to vector<16x128xf32>
    %get3A_4 = arith.constant 0 : index
    %get3A_5 = arith.constant 0 : index
    %get3A_6 = arith.constant 0 : index
    %get3A_7 = vector.load %arg2[%get3A_4, %get3A_5, %get3A_6] : memref<1x16x128xf32, #tpu.memory_space<vmem>>, vector<1x16x128xf32>
    %get3A_8 = vector.shape_cast %get3A_7 : vector<1x16x128xf32> to vector<16x128xf32>
    %add3A = arith.addf %get3A_3, %get3A_8 : vector<16x128xf32>
    %add3A_9 = arith.constant 1.000000e+00 : f32
    %add3A_10 = vector.broadcast %add3A_9 : f32 to vector<16x128xf32>
    %add3A_11 = arith.addf %add3A, %add3A_10 : vector<16x128xf32>
    %rsqrt3A = math.rsqrt %add3A_11 : vector<16x128xf32>
    %slice3A = vector.extract_strided_slice %rsqrt3A {offsets = [0, 0], sizes = [1, 128], strides = [1, 1]} : vector<16x128xf32> to vector<1x128xf32>
    %get3A_12 = arith.constant 0 : index
    %get3A_13 = arith.constant 0 : index
    %get3A_14 = vector.load %arg3[%get3A_12, %get3A_13] : memref<1x128xf32, #tpu.memory_space<vmem>>, vector<1x128xf32>
    %dot_general3A = arith.constant dense<0.000000e+00> : vector<128x128xf32>
    %dot_general3A_15 = tpu.matmul %slice3A, %get3A_14, %dot_general3A {dimension_numbers = #tpu.dot_dimension_numbers<[0], [0], [1], [1], [0, 1, 1, 1], [], []>, precision = #tpu.contract_precision<fp32>, transpose_lhs_hint = false} : vector<1x128xf32>, vector<1x128xf32>, vector<128x128xf32> -> vector<128x128xf32>
    %slice3A_16 = vector.extract_strided_slice %rsqrt3A {offsets = [1, 0], sizes = [1, 128], strides = [1, 1]} : vector<16x128xf32> to vector<1x128xf32>
    %get3A_17 = arith.constant 0 : index
    %get3A_18 = arith.constant 0 : index
    %get3A_19 = vector.load %arg3[%get3A_17, %get3A_18] : memref<1x128xf32, #tpu.memory_space<vmem>>, vector<1x128xf32>
    %dot_general3A_20 = arith.constant dense<0.000000e+00> : vector<128x128xf32>
    %dot_general3A_21 = tpu.matmul %slice3A_16, %get3A_19, %dot_general3A_20 {dimension_numbers = #tpu.dot_dimension_numbers<[0], [0], [1], [1], [0, 1, 1, 1], [], []>, precision = #tpu.contract_precision<fp32>, transpose_lhs_hint = false} : vector<1x128xf32>, vector<1x128xf32>, vector<128x128xf32> -> vector<128x128xf32>
    %slice3A_22 = vector.extract_strided_slice %rsqrt3A {offsets = [2, 0], sizes = [1, 128], strides = [1, 1]} : vector<16x128xf32> to vector<1x128xf32>
    %get3A_23 = arith.constant 0 : index
    %get3A_24 = arith.constant 0 : index
    %get3A_25 = vector.load %arg3[%get3A_23, %get3A_24] : memref<1x128xf32, #tpu.memory_space<vmem>>, vector<1x128xf32>
    %dot_general3A_26 = arith.constant dense<0.000000e+00> : vector<128x128xf32>
    %dot_general3A_27 = tpu.matmul %slice3A_22, %get3A_25, %dot_general3A_26 {dimension_numbers = #tpu.dot_dimension_numbers<[0], [0], [1], [1], [0, 1, 1, 1], [], []>, precision = #tpu.contract_precision<fp32>, transpose_lhs_hint = false} : vector<1x128xf32>, vector<1x128xf32>, vector<128x128xf32> -> vector<128x128xf32>
    %slice3A_28 = vector.extract_strided_slice %rsqrt3A {offsets = [3, 0], sizes = [1, 128], strides = [1, 1]} : vector<16x128xf32> to vector<1x128xf32>
    %get3A_29 = arith.constant 0 : index
    %get3A_30 = arith.constant 0 : index
    %get3A_31 = vector.load %arg3[%get3A_29, %get3A_30] : memref<1x128xf32, #tpu.memory_space<vmem>>, vector<1x128xf32>
    %dot_general3A_32 = arith.constant dense<0.000000e+00> : vector<128x128xf32>
    %dot_general3A_33 = tpu.matmul %slice3A_28, %get3A_31, %dot_general3A_32 {dimension_numbers = #tpu.dot_dimension_numbers<[0], [0], [1], [1], [0, 1, 1, 1], [], []>, precision = #tpu.contract_precision<fp32>, transpose_lhs_hint = false} : vector<1x128xf32>, vector<1x128xf32>, vector<128x128xf32> -> vector<128x128xf32>
    %slice3A_34 = vector.extract_strided_slice %rsqrt3A {offsets = [4, 0], sizes = [1, 128], strides = [1, 1]} : vector<16x128xf32> to vector<1x128xf32>
    %get3A_35 = arith.constant 0 : index
    %get3A_36 = arith.constant 0 : index
    %get3A_37 = vector.load %arg3[%get3A_35, %get3A_36] : memref<1x128xf32, #tpu.memory_space<vmem>>, vector<1x128xf32>
    %dot_general3A_38 = arith.constant dense<0.000000e+00> : vector<128x128xf32>
    %dot_general3A_39 = tpu.matmul %slice3A_34, %get3A_37, %dot_general3A_38 {dimension_numbers = #tpu.dot_dimension_numbers<[0], [0], [1], [1], [0, 1, 1, 1], [], []>, precision = #tpu.contract_precision<fp32>, transpose_lhs_hint = false} : vector<1x128xf32>, vector<1x128xf32>, vector<128x128xf32> -> vector<128x128xf32>
    %slice3A_40 = vector.extract_strided_slice %rsqrt3A {offsets = [5, 0], sizes = [1, 128], strides = [1, 1]} : vector<16x128xf32> to vector<1x128xf32>
    %get3A_41 = arith.constant 0 : index
    %get3A_42 = arith.constant 0 : index
    %get3A_43 = vector.load %arg3[%get3A_41, %get3A_42] : memref<1x128xf32, #tpu.memory_space<vmem>>, vector<1x128xf32>
    %dot_general3A_44 = arith.constant dense<0.000000e+00> : vector<128x128xf32>
    %dot_general3A_45 = tpu.matmul %slice3A_40, %get3A_43, %dot_general3A_44 {dimension_numbers = #tpu.dot_dimension_numbers<[0], [0], [1], [1], [0, 1, 1, 1], [], []>, precision = #tpu.contract_precision<fp32>, transpose_lhs_hint = false} : vector<1x128xf32>, vector<1x128xf32>, vector<128x128xf32> -> vector<128x128xf32>
    %slice3A_46 = vector.extract_strided_slice %rsqrt3A {offsets = [6, 0], sizes = [1, 128], strides = [1, 1]} : vector<16x128xf32> to vector<1x128xf32>
    %get3A_47 = arith.constant 0 : index
    %get3A_48 = arith.constant 0 : index
    %get3A_49 = vector.load %arg3[%get3A_47, %get3A_48] : memref<1x128xf32, #tpu.memory_space<vmem>>, vector<1x128xf32>
    %dot_general3A_50 = arith.constant dense<0.000000e+00> : vector<128x128xf32>
    %dot_general3A_51 = tpu.matmul %slice3A_46, %get3A_49, %dot_general3A_50 {dimension_numbers = #tpu.dot_dimension_numbers<[0], [0], [1], [1], [0, 1, 1, 1], [], []>, precision = #tpu.contract_precision<fp32>, transpose_lhs_hint = false} : vector<1x128xf32>, vector<1x128xf32>, vector<128x128xf32> -> vector<128x128xf32>
    %slice3A_52 = vector.extract_strided_slice %rsqrt3A {offsets = [7, 0], sizes = [1, 128], strides = [1, 1]} : vector<16x128xf32> to vector<1x128xf32>
    %get3A_53 = arith.constant 0 : index
    %get3A_54 = arith.constant 0 : index
    %get3A_55 = vector.load %arg3[%get3A_53, %get3A_54] : memref<1x128xf32, #tpu.memory_space<vmem>>, vector<1x128xf32>
    %dot_general3A_56 = arith.constant dense<0.000000e+00> : vector<128x128xf32>
    %dot_general3A_57 = tpu.matmul %slice3A_52, %get3A_55, %dot_general3A_56 {dimension_numbers = #tpu.dot_dimension_numbers<[0], [0], [1], [1], [0, 1, 1, 1], [], []>, precision = #tpu.contract_precision<fp32>, transpose_lhs_hint = false} : vector<1x128xf32>, vector<1x128xf32>, vector<128x128xf32> -> vector<128x128xf32>
    %slice3A_58 = vector.extract_strided_slice %rsqrt3A {offsets = [8, 0], sizes = [1, 128], strides = [1, 1]} : vector<16x128xf32> to vector<1x128xf32>
    %get3A_59 = arith.constant 0 : index
    %get3A_60 = arith.constant 0 : index
    %get3A_61 = vector.load %arg3[%get3A_59, %get3A_60] : memref<1x128xf32, #tpu.memory_space<vmem>>, vector<1x128xf32>
    %dot_general3A_62 = arith.constant dense<0.000000e+00> : vector<128x128xf32>
    %dot_general3A_63 = tpu.matmul %slice3A_58, %get3A_61, %dot_general3A_62 {dimension_numbers = #tpu.dot_dimension_numbers<[0], [0], [1], [1], [0, 1, 1, 1], [], []>, precision = #tpu.contract_precision<fp32>, transpose_lhs_hint = false} : vector<1x128xf32>, vector<1x128xf32>, vector<128x128xf32> -> vector<128x128xf32>
    %slice3A_64 = vector.extract_strided_slice %rsqrt3A {offsets = [9, 0], sizes = [1, 128], strides = [1, 1]} : vector<16x128xf32> to vector<1x128xf32>
    %get3A_65 = arith.constant 0 : index
    %get3A_66 = arith.constant 0 : index
    %get3A_67 = vector.load %arg3[%get3A_65, %get3A_66] : memref<1x128xf32, #tpu.memory_space<vmem>>, vector<1x128xf32>
    %dot_general3A_68 = arith.constant dense<0.000000e+00> : vector<128x128xf32>
    %dot_general3A_69 = tpu.matmul %slice3A_64, %get3A_67, %dot_general3A_68 {dimension_numbers = #tpu.dot_dimension_numbers<[0], [0], [1], [1], [0, 1, 1, 1], [], []>, precision = #tpu.contract_precision<fp32>, transpose_lhs_hint = false} : vector<1x128xf32>, vector<1x128xf32>, vector<128x128xf32> -> vector<128x128xf32>
    %slice3A_70 = vector.extract_strided_slice %rsqrt3A {offsets = [10, 0], sizes = [1, 128], strides = [1, 1]} : vector<16x128xf32> to vector<1x128xf32>
    %get3A_71 = arith.constant 0 : index
    %get3A_72 = arith.constant 0 : index
    %get3A_73 = vector.load %arg3[%get3A_71, %get3A_72] : memref<1x128xf32, #tpu.memory_space<vmem>>, vector<1x128xf32>
    %dot_general3A_74 = arith.constant dense<0.000000e+00> : vector<128x128xf32>
    %dot_general3A_75 = tpu.matmul %slice3A_70, %get3A_73, %dot_general3A_74 {dimension_numbers = #tpu.dot_dimension_numbers<[0], [0], [1], [1], [0, 1, 1, 1], [], []>, precision = #tpu.contract_precision<fp32>, transpose_lhs_hint = false} : vector<1x128xf32>, vector<1x128xf32>, vector<128x128xf32> -> vector<128x128xf32>
    %slice3A_76 = vector.extract_strided_slice %rsqrt3A {offsets = [11, 0], sizes = [1, 128], strides = [1, 1]} : vector<16x128xf32> to vector<1x128xf32>
    %get3A_77 = arith.constant 0 : index
    %get3A_78 = arith.constant 0 : index
    %get3A_79 = vector.load %arg3[%get3A_77, %get3A_78] : memref<1x128xf32, #tpu.memory_space<vmem>>, vector<1x128xf32>
    %dot_general3A_80 = arith.constant dense<0.000000e+00> : vector<128x128xf32>
    %dot_general3A_81 = tpu.matmul %slice3A_76, %get3A_79, %dot_general3A_80 {dimension_numbers = #tpu.dot_dimension_numbers<[0], [0], [1], [1], [0, 1, 1, 1], [], []>, precision = #tpu.contract_precision<fp32>, transpose_lhs_hint = false} : vector<1x128xf32>, vector<1x128xf32>, vector<128x128xf32> -> vector<128x128xf32>
    %slice3A_82 = vector.extract_strided_slice %rsqrt3A {offsets = [12, 0], sizes = [1, 128], strides = [1, 1]} : vector<16x128xf32> to vector<1x128xf32>
    %get3A_83 = arith.constant 0 : index
    %get3A_84 = arith.constant 0 : index
    %get3A_85 = vector.load %arg3[%get3A_83, %get3A_84] : memref<1x128xf32, #tpu.memory_space<vmem>>, vector<1x128xf32>
    %dot_general3A_86 = arith.constant dense<0.000000e+00> : vector<128x128xf32>
    %dot_general3A_87 = tpu.matmul %slice3A_82, %get3A_85, %dot_general3A_86 {dimension_numbers = #tpu.dot_dimension_numbers<[0], [0], [1], [1], [0, 1, 1, 1], [], []>, precision = #tpu.contract_precision<fp32>, transpose_lhs_hint = false} : vector<1x128xf32>, vector<1x128xf32>, vector<128x128xf32> -> vector<128x128xf32>
    %slice3A_88 = vector.extract_strided_slice %rsqrt3A {offsets = [13, 0], sizes = [1, 128], strides = [1, 1]} : vector<16x128xf32> to vector<1x128xf32>
    %get3A_89 = arith.constant 0 : index
    %get3A_90 = arith.constant 0 : index
    %get3A_91 = vector.load %arg3[%get3A_89, %get3A_90] : memref<1x128xf32, #tpu.memory_space<vmem>>, vector<1x128xf32>
    %dot_general3A_92 = arith.constant dense<0.000000e+00> : vector<128x128xf32>
    %dot_general3A_93 = tpu.matmul %slice3A_88, %get3A_91, %dot_general3A_92 {dimension_numbers = #tpu.dot_dimension_numbers<[0], [0], [1], [1], [0, 1, 1, 1], [], []>, precision = #tpu.contract_precision<fp32>, transpose_lhs_hint = false} : vector<1x128xf32>, vector<1x128xf32>, vector<128x128xf32> -> vector<128x128xf32>
    %slice3A_94 = vector.extract_strided_slice %rsqrt3A {offsets = [14, 0], sizes = [1, 128], strides = [1, 1]} : vector<16x128xf32> to vector<1x128xf32>
    %get3A_95 = arith.constant 0 : index
    %get3A_96 = arith.constant 0 : index
    %get3A_97 = vector.load %arg3[%get3A_95, %get3A_96] : memref<1x128xf32, #tpu.memory_space<vmem>>, vector<1x128xf32>
    %dot_general3A_98 = arith.constant dense<0.000000e+00> : vector<128x128xf32>
    %dot_general3A_99 = tpu.matmul %slice3A_94, %get3A_97, %dot_general3A_98 {dimension_numbers = #tpu.dot_dimension_numbers<[0], [0], [1], [1], [0, 1, 1, 1], [], []>, precision = #tpu.contract_precision<fp32>, transpose_lhs_hint = false} : vector<1x128xf32>, vector<1x128xf32>, vector<128x128xf32> -> vector<128x128xf32>
    %slice3A_100 = vector.extract_strided_slice %rsqrt3A {offsets = [15, 0], sizes = [1, 128], strides = [1, 1]} : vector<16x128xf32> to vector<1x128xf32>
    %get3A_101 = arith.constant 0 : index
    %get3A_102 = arith.constant 0 : index
    %get3A_103 = vector.load %arg3[%get3A_101, %get3A_102] : memref<1x128xf32, #tpu.memory_space<vmem>>, vector<1x128xf32>
    %dot_general3A_104 = arith.constant dense<0.000000e+00> : vector<128x128xf32>
    %dot_general3A_105 = tpu.matmul %slice3A_100, %get3A_103, %dot_general3A_104 {dimension_numbers = #tpu.dot_dimension_numbers<[0], [0], [1], [1], [0, 1, 1, 1], [], []>, precision = #tpu.contract_precision<fp32>, transpose_lhs_hint = false} : vector<1x128xf32>, vector<1x128xf32>, vector<128x128xf32> -> vector<128x128xf32>
    %concatenate3A = tpu.concatenate %dot_general3A_15, %dot_general3A_21, %dot_general3A_27, %dot_general3A_33, %dot_general3A_39, %dot_general3A_45, %dot_general3A_51, %dot_general3A_57, %dot_general3A_63, %dot_general3A_69, %dot_general3A_75, %dot_general3A_81, %dot_general3A_87, %dot_general3A_93, %dot_general3A_99, %dot_general3A_105 in 0 : vector<128x128xf32>, vector<128x128xf32>, vector<128x128xf32>, vector<128x128xf32>, vector<128x128xf32>, vector<128x128xf32>, vector<128x128xf32>, vector<128x128xf32>, vector<128x128xf32>, vector<128x128xf32>, vector<128x128xf32>, vector<128x128xf32>, vector<128x128xf32>, vector<128x128xf32>, vector<128x128xf32>, vector<128x128xf32> -> vector<2048x128xf32>
    %get3A_106 = arith.constant 0 : index
    %get3A_107 = arith.constant 0 : index
    %get3A_108 = arith.constant 0 : index
    %get3A_109 = vector.load %arg4[%get3A_106, %get3A_107, %get3A_108] : memref<1x2048x128xf32, #tpu.memory_space<vmem>>, vector<1x2048x128xf32>
    %get3A_110 = vector.shape_cast %get3A_109 : vector<1x2048x128xf32> to vector<2048x128xf32>
    %get3A_111 = arith.constant 0 : index
    %get3A_112 = arith.constant 0 : index
    %get3A_113 = arith.constant 0 : index
    %get3A_114 = vector.load %arg5[%get3A_111, %get3A_112, %get3A_113] : memref<1x2048x128xf32, #tpu.memory_space<vmem>>, vector<1x2048x128xf32>
    %get3A_115 = vector.shape_cast %get3A_114 : vector<1x2048x128xf32> to vector<2048x128xf32>
    %add3A_116 = arith.addf %get3A_110, %get3A_115 : vector<2048x128xf32>
    %get3A_117 = arith.constant 0 : index
    %get3A_118 = arith.constant 0 : index
    %get3A_119 = vector.load %arg6[%get3A_117, %get3A_118] : memref<2048x128xf32, #tpu.memory_space<vmem>>, vector<2048x128xf32>
    %add3A_120 = arith.addf %add3A_116, %get3A_119 : vector<2048x128xf32>
    %mul3A = arith.mulf %concatenate3A, %add3A_120 : vector<2048x128xf32>
    %get3A_121 = arith.constant 0 : index
    %get3A_122 = arith.constant 0 : index
    %get3A_123 = vector.load %arg7[%get3A_121, %get3A_122] : memref<1x128xf32, #tpu.memory_space<vmem>>, vector<1x128xf32>
    %add3A_124 = vector.broadcast %get3A_123 : vector<1x128xf32> to vector<2048x128xf32>
    %add3A_125 = arith.addf %mul3A, %add3A_124 : vector<2048x128xf32>
    %swap3A = arith.constant 0 : index
    %swap3A_126 = arith.constant 0 : index
    %swap3A_127 = vector.load %arg8[%swap3A, %swap3A_126] : memref<2048x128xf32, #tpu.memory_space<vmem>>, vector<2048x128xf32>
    tpu.vector_store %arg8[%swap3A, %swap3A_126], %add3A_125 {strides = array<i32>} : memref<2048x128xf32, #tpu.memory_space<vmem>>, vector<2048x128xf32>,
    return
  }
  func.func @transform_0(%arg0: i32) -> (i32, i32, i32) {
    %c0_i32 = arith.constant 0 : i32
    %c0_i32_0 = arith.constant 0 : i32
    %c0_i32_1 = arith.constant 0 : i32
    return %c0_i32, %arg0, %c0_i32_0 : i32, i32, i32
  }
  func.func @transform_1(%arg0: i32) -> (i32, i32, i32) {
    %c1_i32 = arith.constant 1 : i32
    %c0_i32 = arith.constant 0 : i32
    %c0_i32_0 = arith.constant 0 : i32
    return %c1_i32, %arg0, %c0_i32 : i32, i32, i32
  }
  func.func @transform_2(%arg0: i32) -> (i32, i32) {
    %c0_i32 = arith.constant 0 : i32
    %c0_i32_0 = arith.constant 0 : i32
    %c0_i32_1 = arith.constant 0 : i32
    return %c0_i32, %c0_i32_0 : i32, i32
  }
  func.func @transform_3(%arg0: i32) -> (i32, i32, i32) {
    %c0_i32 = arith.constant 0 : i32
    %c0_i32_0 = arith.constant 0 : i32
    %c0_i32_1 = arith.constant 0 : i32
    return %c0_i32, %arg0, %c0_i32_0 : i32, i32, i32
  }
  func.func @transform_4(%arg0: i32) -> (i32, i32, i32) {
    %c1_i32 = arith.constant 1 : i32
    %c0_i32 = arith.constant 0 : i32
    %c0_i32_0 = arith.constant 0 : i32
    return %c1_i32, %arg0, %c0_i32 : i32, i32, i32
  }
  func.func @transform_5(%arg0: i32) -> (i32, i32) {
    %c0_i32 = arith.constant 0 : i32
    %c0_i32_0 = arith.constant 0 : i32
    return %arg0, %c0_i32 : i32, i32
  }
  func.func @transform_6(%arg0: i32) -> (i32, i32) {
    %c0_i32 = arith.constant 0 : i32
    %c0_i32_0 = arith.constant 0 : i32
    %c0_i32_1 = arith.constant 0 : i32
    return %c0_i32, %c0_i32_0 : i32, i32
  }
  func.func @transform_7(%arg0: i32) -> (i32, i32) {
    %c0_i32 = arith.constant 0 : i32
    %c0_i32_0 = arith.constant 0 : i32
    return %arg0, %c0_i32 : i32, i32
  }
}

</mosaic_0001>

<sc_bundles>
// kernel: kernel.11.cloned.1.call-start
scs
__scs_entry_jumppad:
0x0: {  	(pc) =	sbr.rel $0x88, $3  }
0x1: {  	(tag) =	ssettag $0x0;
	lr =	simm.s32 $0x1  }
0x2: {  	[smem:$0x3F9B] =	sst lr;
	_ =	strace $0xD0000000  }
0x3: {  	_ = 	snop  }
0x4: {  	_ = 	snop  }
0x5: {  	_ = 	snop  }
0x6: {  	_ = 	snop  }
0x7: {  	_ = 	snop  }
__scs_overlays_trampoline_lowered:
0x8: {  	[smem:$0x3FAA] =	sst s0  }
0x9: {  	[smem:$0x3FAB] =	sst s1  }
0xa: {  	[smem:$0x3FAC] =	sst s2  }
0xb: {  	[smem:$0x3FAD] =	sst s3  }
0xc: {  	[smem:$0x3FAE] =	sst s4  }
0xd: {  	[smem:$0x3FAF] =	sst s5  }
0xe: {  	[smem:$0x3FB0] =	sst s6  }
0xf: {  	[smem:$0x3FB1] =	sst s7  }
0x10: {  	[smem:$0x3FB2] =	sst s8  }
0x11: {  	[smem:$0x3FB3] =	sst s9;
	s0 =	simm.s32 @!p0 $0x0  }
0x12: {  	s1 =	sld [smem:$0x3F99];
	s0 =	simm.s32 @p0 $0x1  }
0x13: {  	[smem:$0x3FB4] =	sst s0;
	s0 =	simm.s32 @!p1 $0x0  }
0x14: {  	s2 =	sld [smem:$0x3F98];
	s0 =	simm.s32 @p1 $0x1  }
0x15: {  	[smem:$0x3FB5] =	sst s0;
	s0 =	simm.s32 @!p2 $0x0  }
0x16: {  	s3 =	sld [smem:$0x3FDB];
	s0 =	simm.s32 @p2 $0x1  }
0x17: {  	s4 =	simm.s32 $0x1BF5;
	[smem:$0x3FB7] =	sst s0  }
0x18: {  	s0 =	sld [smem:$0x3F9A];
	_ =	swait.ge [sflag:s4], $0x0  }
0x19: {  	s7 =	sld [smem:$0x3F9B]  }
0x1a: {  	s8 =	sadd.s32 $0xFFFFE003, lr  }
0x1b: {  	s9 =	sadd.s32 $0xFFFFFEF7, lr;
	s5 =	simm.s32 $0xFFFFFFFF;
	p2 =	slt.u32 s8, $0xFFFFF086  }
0x1c: {  	p1 =	slt.u32 s9, $0xF7A;
	s5 =	simm.s32 @!p2 $0x0  }
0x1d: {  	s5 =	simm.s32 @p1 $0x1;
	p0 =	seq.s32 s7, s2  }
0x1e: {  	s7 =	smul.u32 @!p0 $0xF7A, s2;
	p2 =	seq.s32 @!p0 s5, $0x0  }
0x1f: {  	s9 =	smul.u32 $0xF7A, s1;
	s8 =	simm.s32 @!p0 $0x1BF5;
	p2 =	por !p2, p0  }
0x20: {  	[sflag:s8] =	ssyncset.s32 @!p0 $0xFFFFF086;
	s6 =	sadd.s32 @!p0 s3, s7;
	s7 =	simm.s32 @!p0 $0x108  }
0x21: {  	s3 =	sadd.s32 s3, s9;
	s6 =	sadd.s32 @!p0 $0x88, s6;
	s7 =	simm.s32 @p2 $0x1082  }
0x22: {  	[simem:s7], [sflag:s8] =	dma.local @!p0 [hbm:s6], $0xF7A  }
0x23: {  	s9 =	sor.u32 $0xD0000000, s2;
	s6 =	simm.s32 $0x108;
	_ =	swait.ge @!p0 [sflag:s8], $0x0  }
0x24: {  	s3 =	sadd.s32 $0x88, s3;
	s6 =	simm.s32 @!p1 $0x1082;
	[sflag:s4] =	ssyncset.s32 $0xFFFFF086  }
0x25: {  	[simem:s6], [sflag:s4] =	dma.local [hbm:s3], $0xF7A  }
0x26: {  	[smem:$0x3F9B] =	sst s1;
	(tag) =	ssettag s2;
	_ =	strace s9  }
0x27: {  	s1 =	sld [smem:$0x3FAB]  }
0x28: {  	s2 =	sld [smem:$0x3FAC]  }
0x29: {  	s4 =	sld [smem:$0x3FAE]  }
0x2a: {  	p0 =	seq.s32 s5, $0x0;
	s5 =	sld [smem:$0x3FAF]  }
0x2b: {  	s6 =	sld [smem:$0x3FB0]  }
0x2c: {  	s7 =	sld [smem:$0x3FB1]  }
0x2d: {  	s3 =	simm.s32 $0x108;
	s8 =	sld [smem:$0x3FB2]  }
0x2e: {  	s3 =	simm.s32 @!p0 $0x1082;
	s9 =	sld [smem:$0x3FB3]  }
0x2f: {  	lr =	sadd.s32 s0, s3;
	s0 =	sld [smem:$0x3FAA]  }
0x30: {  	s3 =	sld [smem:$0x3FAD]  }
0x31: {  	[smem:$0x3FB6] =	sst s10  }
0x32: {  	s10 =	sld [smem:$0x3FB4];
	_ =	sdelay $0x3  }
0x33: {  	p0 =	seq.s32 s10, $0x1;
	s10 =	sld [smem:$0x3FB6];
	_ =	sdelay $0x3  }
0x34: {  	[smem:$0x3FB6] =	sst s10  }
0x35: {  	s10 =	sld [smem:$0x3FB5];
	_ =	sdelay $0x3  }
0x36: {  	p1 =	seq.s32 s10, $0x1;
	s10 =	sld [smem:$0x3FB6];
	_ =	sdelay $0x3  }
0x37: {  	[smem:$0x3FB6] =	sst s10  }
0x38: {  	s10 =	sld [smem:$0x3FB7]  }
0x39: {  	_ = 	snop;
	(pc) =	sbr.ind lr, $3  }
0x3a: {  	_ = 	snop  }
0x3b: {  	_ = 	snop  }
0x3c: {  	p2 =	seq.s32 s10, $0x1;
	s10 =	sld [smem:$0x3FB6]  }
0x3d: {  	_ =	shalt  }
0x3e: {  	_ =	shalt  }
0x3f: {  	_ =	shalt  }
0x40: {  	_ =	shalt  }
0x41: {  	_ =	shalt  }
0x42: {  	_ =	shalt  }
0x43: {  	_ =	shalt  }
0x44: {  	_ =	shalt  }
0x45: {  	_ =	shalt  }
0x46: {  	_ =	shalt  }
0x47: {  	_ =	shalt  }
0x48: {  	_ =	shalt  }
0x49: {  	_ =	shalt  }
0x4a: {  	_ =	shalt  }
0x4b: {  	_ =	shalt  }
0x4c: {  	_ =	shalt  }
0x4d: {  	_ =	shalt  }
0x4e: {  	_ =	shalt  }
0x4f: {  	_ =	shalt  }
0x50: {  	_ =	shalt  }
0x51: {  	_ =	shalt  }
0x52: {  	_ =	shalt  }
0x53: {  	_ =	shalt  }
0x54: {  	_ =	shalt  }
0x55: {  	_ =	shalt  }
0x56: {  	_ =	shalt  }
0x57: {  	_ =	shalt  }
0x58: {  	_ =	shalt  }
0x59: {  	_ =	shalt  }
0x5a: {  	_ =	shalt  }
0x5b: {  	_ =	shalt  }
0x5c: {  	_ =	shalt  }
0x5d: {  	_ =	shalt  }
0x5e: {  	_ =	shalt  }
0x5f: {  	_ =	shalt  }
0x60: {  	_ =	shalt  }
0x61: {  	_ =	shalt  }
0x62: {  	_ =	shalt  }
0x63: {  	_ =	shalt  }
0x64: {  	_ =	shalt  }
0x65: {  	_ =	shalt  }
0x66: {  	_ =	shalt  }
0x67: {  	_ =	shalt  }
0x68: {  	_ =	shalt  }
0x69: {  	_ =	shalt  }
0x6a: {  	_ =	shalt  }
0x6b: {  	_ =	shalt  }
0x6c: {  	_ =	shalt  }
0x6d: {  	_ =	shalt  }
0x6e: {  	_ =	shalt  }
0x6f: {  	_ =	shalt  }
0x70: {  	_ =	shalt  }
0x71: {  	_ =	shalt  }
0x72: {  	_ =	shalt  }
0x73: {  	_ =	shalt  }
0x74: {  	_ =	shalt  }
0x75: {  	_ =	shalt  }
0x76: {  	_ =	shalt  }
0x77: {  	_ =	shalt  }
0x78: {  	_ =	shalt  }
0x79: {  	_ =	shalt  }
0x7a: {  	_ =	shalt  }
0x7b: {  	_ =	shalt  }
0x7c: {  	_ =	shalt  }
0x7d: {  	_ =	shalt  }
0x7e: {  	_ =	shalt  }
0x7f: {  	_ =	shalt  }
0x80: {  	_ =	shalt  }
0x81: {  	_ =	shalt  }
0x82: {  	_ =	shalt  }
0x83: {  	_ =	shalt  }
0x84: {  	_ =	shalt  }
0x85: {  	_ =	shalt  }
0x86: {  	_ =	shalt  }
0x87: {  	_ =	shalt  }
.Lfunc_end0:
.L_simem_size_0:
called_computation.1_lowered:
.L_overlay_start_0:
0x88: {  	s2 =	sld [smem:$0x3FD9]  }
0x89: {  	s3 =	sld [smem:$0x3FFE];
	_ =	sdelay $0x1  }
0x8a: {  	s1 =	srdreg.scid  }
0x8b: {  	s0 =	sand.u32 $0x1, s1  }
0x8c: {  	s17 =	sshll.u32 s0, $0xA;
	s2 =	sadd.s32 s3, s2  }
0x8d: {  	s2 =	sadd.s32 s2, s17  }
0x8e: {  	[smem:$0x3FC2] =	sst s2  }
0x8f: {  	_ = 	snop  }
0x90: {  	s2 =	sld [smem:$0x3FD0];
	(tm) =	ssettm $0x1  }
0x91: {  	s18 =	sld [smem:$0x3FFB];
	_ =	sdelay $0x3  }
0x92: {  	_ =	strace s18  }
0x93: {  	s3 =	sld [smem:$0x3FFC];
	_ =	sdelay $0x3  }
0x94: {  	_ =	strace s3  }
0x95: {  	s3 =	sld [smem:$0x3FFD];
	_ =	sdelay $0x3  }
0x96: {  	_ =	strace s3  }
0x97: {  	_ =	strace $0x8FFFFFFF  }
0x98: {  	s19 =	sld [smem:$0x3FDB];
	_ =	sdelay $0x1  }
0x99: {  	s4 =	simm.s32 $_scs_section_size  }
0x9a: {  	s5 =	simm.s32 $_size__tile_overlayer_lowered;
	s6 =	simm.s32 $_tile_overlayer_lowered  }
0x9b: {  	s22 =	simm.s32 $0x1BFF;
	s21 =	sshll.u32 s6, $0x1;
	s3 =	sadd.s32 s4, s19  }
0x9c: {  	s7 =	simm.s32 $0x0;
	s20 =	sshll.u32 s5, $0x1;
	s5 =	sadd.s32 s21, s3  }
0x9d: {  	[timem:s7], [sflag:s22] =	dma.local [hbm:s5], s20  }
0x9e: {  	_ =	swait.ge [sflag:s22], s20  }
0x9f: {  	s4 =	ssub.s32 $0x0, s20;
	[sflag:s22] =	ssyncset.done $0x0  }
0xa0: {  	[sflag:s22] =	ssyncadd.s32 s4;
	_ =	sdelay $0x1  }
0xa1: {  	s23 =	simm.s32 $0x1B8B  }
0xa2: {  	_ =	swait.ge [sflag:s23], $0x1  }
0xa3: {  	[sflag:s23] =	ssyncset.done $0x0  }
0xa4: {  	s25 =	simm.s32 $0x1B8E;
	s24 =	sld [smem:$0x3FFE];
	[sflag:s23] =	ssyncadd.s32 $0xFFFFFFFF  }
0xa5: {  	s26 =	simm.s32 $execute0_lowered;
	[smem:$0x3FD2] =	sst s25  }
0xa6: {  	s5 =	sshll.u32 s26, $0x1;
	_ =	strace $0x80000049;
	[dreg:$0x1] =	wrdreg $0xFFFFFFFF  }
0xa7: {  	s28 =	simm.s32 $_size_execute0_lowered;
	s3 =	sadd.s32 s3, s5;
	[dreg:$0x0] =	wrdreg $0x0  }
0xa8: {  	s5 =	sshll.u32 s28, $0x1;
	[dreg:$0x2] =	wrdreg s3  }
0xa9: {  	[dreg:$0x3] =	wrdreg s5  }
0xaa: {  	[dreg:$0x4] =	wrdreg $0xC0  }
0xab: {  	_ =	task [dreg:s7], $0x5FFFF  }
0xac: {  	[dreg:$0x1] =	wrdreg $0xFFFFFFFF  }
0xad: {  	[dreg:$0x0] =	wrdreg $0x60  }
0xae: {  	[dreg:$0x2] =	wrdreg s24  }
0xaf: {  	[dreg:$0x3] =	wrdreg s2  }
0xb0: {  	[dreg:$0x4] =	wrdreg $0xC5000  }
0xb1: {  	[dreg:$0x5] =	wrdreg $0x9  }
0xb2: {  	_ =	task.clear_ibuf [dreg:s7], $0x6FFFF;
	_ =	strace $0x90000049  }
0xb3: {  	s29 =	simm.s32 $0x9;
	_ =	strace $0x8000004B  }
0xb4: {  	_ =	swait.ge [sflag:s29], $0x1  }
0xb5: {  	[sflag:s29] =	ssyncadd.s32 $0xFFFFFFFF  }
0xb6: {  	_ =	strace $0x9000004B  }
0xb7: {  	_ =	sfence  }
0xb8: {  	s30 =	sld [smem:$0x0];
	_ =	sdelay $0x2  }
0xb9: {  	s31 =	sshll.u32 s1, $0xD;
	s1 =	sshrl.u32 s1, $0x2  }
0xba: {  	s3 =	sand.u32 $0x4000, s31;
	s1 =	sadd.s32 s1, s30  }
0xbb: {  	s0 =	sor.u32 s3, s0;
	s1 =	sshll.u32 s1, $0x11  }
0xbc: {  	s0 =	sor.u32 s1, s0  }
0xbd: {  	s0 =	sadd.s32 $0x8F2B, s0  }
0xbe: {  	[sflag:s0] =	ssyncadd.remote.s32 $0x1  }
0xbf: {  	_ =	sfence.sel $0xFFFF  }
0xc0: {  	[dreg:$0x0] =	wrdreg $0xFFFFFFFF;
	(pc) =	sbr.abs _section_cstart, $3  }
0xc1: {  	[dreg:$0x1] =	wrdreg $0xFFFFFFFF  }
0xc2: {  	_ =	task.clear_ibuf [dreg:s7], $0x2FFFF;
	_ =	strace $0x9FFFFFFF  }
0xc3: {  	(tm) =	ssettm $0x7FFFFFFF  }
tec
execute0_lowered:
.L_overlay_start_1:
0x0: {  	(tag) =	ssettag $0x1  }
0x1: {  	s5 =	rddreg [dreg:$0x0]  }
0x2: {  	s0 =	srdreg.scid;
	s8 =	rddreg [dreg:$0x1]  }
0x3: {  	s12 =	stileid.u32;
	s1 =	rddreg [dreg:$0x2]  }
0x4: {  	s2 =	simm.s32 $0x0;
	s19 =	simm.s32 $0x5D00;
	s20 =	simm.s32 $0x68  }
0x5: {  	s21 =	simm.s32 $0x9100;
	s22 =	simm.s32 $0x3;
	s23 =	simm.s32 $0x2838  }
0x6: {  	s24 =	simm.s32 $0x5A00;
	s25 =	simm.s32 $0x5A80;
	s26 =	simm.s32 $0x0  }
0x7: {  	s6 =	sand.u32 $0x1, s0;
	s4 =	sshll.u32 s12, $0x7;
	s9 =	smul.u32 $0x2700, s12  }
0x8: {  	[smem:$0x7FF] =	sst s2;
	s13 =	smul.u32 $0x4E000, s12;
	s16 =	sadd.s32 $0x3FE00, s5  }
0x9: {  	s18 =	sadd.s32 $0x138000, s1;
	p0 =	sne.s32 s12, $0x0;
	s0 =	sshll.u32 s6, $0x4  }
0xa: {  	s4 =	sand.u32 $0x380, s4;
	s11 =	ssub.s32 $0x2, s6;
	s28 =	smul.u32 $0x27100, s6  }
0xb: {  	s30 =	smul.u32 $0x138800, s6;
	s7 =	sor.u32 s12, s0;
	s0 =	rddreg [dreg:$0x3]  }
0xc: {  	_ =	strace $0x8000004A;
	s14 =	sshrl.u32 s11, $0x1;
	s29 =	sshrl.u32 s13, $0x2  }
0xd: {  	s13 =	simm.s32 $0x80;
	s3 =	sshrl.u32 s7, $0x3;
	s15 =	smul.u32 $0x680, s7  }
0xe: {  	s11 =	ssub.s32 s11, s14;
	s17 =	sadd.s32 s29, s1;
	s3 =	smul.u32 $0x14800, s3  }
0xf: {  	s9 =	sadd.s32 s9, s28;
	s31 =	sshrl.u32 s30, $0x3;
	s14 =	simm.s32 $0x400  }
0x10: {  	s9 =	sadd.s32 s16, s9;
	s11 =	smax.u32 s11, $0x1;
	s4 =	sor.u32 s4, s3  }
0x11: {  	s8 =	sadd.s32 s8, s15;
	s15 =	simm.s32 $0x2900;
	s4 =	sshrl.u32 s4, $0x3  }
0x12: {  	s3 =	sadd.s32 $0x17E00, s5;
	s10 =	sadd.s32 s4, s5;
	s4 =	sadd.s32 $0x2A00, s5  }
0x13: {  	s5 =	sshll.u32 s12, $0x6;
	s12 =	sshrl.u32 s17, $0x3;
	s17 =	simm.s32 $0x1  }
0x14: {  	s6 =	sor.u32 $0x1C01, s5;
	s7 =	sadd.s32 $0xDA00, s10;
	s10 =	sadd.s32 s16, s31  }
0x15: {  	s16 =	sshrl.u32 @!p0 s18, $0x3;
	s18 =	simm.s32 $0x2;
	s10 =	sadd.s32 $0x27000, s10  }
.LBB2_1:
0x16: {  	[spmem:s12], [sflag:s6] =	dma.local [hbm:s4], $0x2700  }
0x17: {  	[tilespmem:s2], [sflag:$0x2] =	stream.strided.gather [hbm4b:s7+s13], $0x2900, s14, s13, $0x38;
	[tilespmem:$0x1FD80] =	vst v63  }
0x18: {  	s28 =	simm.s32 @!p0 $0x1C03  }
0x19: {  	[tilespmem:s15], [sflag:$0x2] =	stream.linear.gather [hbm4b:s8+s2], $0x3200, $0x38;
	[tilespmem:$0x1FD80] =	vst v63  }
0x1a: {  	[spmem:s16], [sflag:s28] =	dma.local @!p0 [hbm:s4], $0x100  }
0x1b: {  	s28 =	simm.s32 @!p0 $0x3  }
0x1c: {  	_ =	swait.ge @!p0 [sflag:s28], $0x100  }
0x1d: {  	[sflag:s28] =	ssyncset.done @!p0 $0x0  }
0x1e: {  	[sflag:s28] =	ssyncadd.s32 @!p0 $0xFFFFFF00  }
0x1f: {  	_ =	swait.ge [sflag:s17], $0x2700  }
0x20: {  	[sflag:s17] =	ssyncset.done $0x0  }
0x21: {  	[sflag:s17] =	ssyncadd.s32 $0xFFFFD900  }
0x22: {  	_ =	swait.ge [sflag:s18], $0x2900  }
0x23: {  	[sflag:s18] =	ssyncset.done $0x0  }
0x24: {  	[sflag:s18] =	ssyncadd.s32 $0xFFFFD700  }
0x25: {  	_ =	swait.ge [sflag:s18], $0x3200  }
0x26: {  	[sflag:s18] =	ssyncset.done $0x0  }
0x27: {  	[sflag:s18] =	ssyncadd.s32 $0xFFFFCE00  }
0x28: {  	[bflag:$0x0] =	sbarrier.arrive $0xFFFF  }
0x29: {  	[tilespmem:s19], [sflag:$0x1] =	stream.indirect.gather [hbm4b:s3+s20], $0x80, s2, s20, $0xb8;
	[tilespmem:$0x1FD80] =	vst v63  }
0x2a: {  	_ = 	snop  }
0x2b: {  	[tilespmem:s21], [sflag:$0x2] =	stream.indirect.gather [hbm4b:s3+s20], $0x80, s20, s20, $0xb8;
	[tilespmem:$0x1FD80] =	vst v63  }
0x2c: {  	_ =	swait.ge [sflag:s17], $0x3400  }
0x2d: {  	[sflag:s17] =	ssyncset.done $0x0  }
0x2e: {  	s28 =	simm.s32 $0x2900;
	[sflag:s17] =	ssyncadd.s32 $0xFFFFCC00  }
0x2f: {  	[spmem:s1] =	stream.indirect.scatter.add.f32 [tilespmem:s19], [sflag:$0x3], $0x80, s28, s20, $0xb8;
	[tilespmem:$0x1FD80] =	vst v63  }
0x30: {  	_ =	swait.ge [sflag:s22], $0x3400  }
0x31: {  	[sflag:s22] =	ssyncset.done $0x0  }
0x32: {  	s28 =	simm.s32 $0xD0;
	[sflag:s22] =	ssyncadd.s32 $0xFFFFCC00  }
0x33: {  	[tilespmem:s19], [sflag:$0x1] =	stream.indirect.gather [hbm4b:s3+s20], $0x80, s28, s20, $0xb8;
	[tilespmem:$0x1FD80] =	vst v63  }
0x34: {  	_ =	swait.ge [sflag:s18], $0x3400  }
0x35: {  	[sflag:s18] =	ssyncset.done $0x0  }
0x36: {  	s28 =	simm.s32 $0x2980;
	[sflag:s18] =	ssyncadd.s32 $0xFFFFCC00  }
0x37: {  	[spmem:s1] =	stream.indirect.scatter.add.f32 [tilespmem:s21], [sflag:$0x3], $0x80, s28, s20, $0xb8;
	[tilespmem:$0x1FD80] =	vst v63  }
0x38: {  	_ =	swait.ge [sflag:s22], $0x3400  }
0x39: {  	s29 =	simm.s32 $0x68;
	s28 =	simm.s32 $0x400;
	[sflag:s22] =	ssyncset.done $0x0  }
.LBB2_2:
0x3a: {  	p1 =	sne.s32 s28, $0xC000;
	[sflag:s22] =	ssyncadd.s32 $0xFFFFCC00;
	s29 =	sadd.s32 $0xD0, s29  }
0x3b: {  	[tilespmem:s21], [sflag:$0x2] =	stream.indirect.gather [hbm4b:s3+s20], $0x80, s29, s20, $0xb8;
	[tilespmem:$0x1FD80] =	vst v63  }
0x3c: {  	s30 =	smov.u32 s28;
	s28 =	sadd.s32 $0x400, s28;
	_ =	swait.ge [sflag:s17], $0x3400  }
0x3d: {  	s30 =	sshra.s32 s30, $0x2;
	[sflag:s17] =	ssyncset.done $0x0  }
0x3e: {  	s31 =	sadd.s32 $0x2900, s30;
	[sflag:s17] =	ssyncadd.s32 $0xFFFFCC00  }
0x3f: {  	[spmem:s1] =	stream.indirect.scatter.add.f32 [tilespmem:s19], [sflag:$0x3], $0x80, s31, s20, $0xb8;
	[tilespmem:$0x1FD80] =	vst v63  }
0x40: {  	_ =	swait.ge [sflag:s22], $0x3400  }
0x41: {  	[sflag:s22] =	ssyncset.done $0x0  }
0x42: {  	s31 =	sadd.s32 $0x68, s29;
	[sflag:s22] =	ssyncadd.s32 $0xFFFFCC00  }
0x43: {  	[tilespmem:s19], [sflag:$0x1] =	stream.indirect.gather [hbm4b:s3+s20], $0x80, s31, s20, $0xb8;
	[tilespmem:$0x1FD80] =	vst v63  }
0x44: {  	_ =	swait.ge [sflag:s18], $0x3400  }
.Ltmp0:
0x45: {  	[sflag:s18] =	ssyncset.done $0x0;
	(pc) =	sbr.rel @p1 .LBB2_2-.Ltmp0, $4  }
0x46: {  	s30 =	sadd.s32 $0x2980, s30;
	[sflag:s18] =	ssyncadd.s32 $0xFFFFCC00  }
0x47: {  	[spmem:s1] =	stream.indirect.scatter.add.f32 [tilespmem:s21], [sflag:$0x3], $0x80, s30, s20, $0xb8;
	[tilespmem:$0x1FD80] =	vst v63  }
0x48: {  	_ =	swait.ge [sflag:s22], $0x3400  }
0x49: {  	[sflag:s22] =	ssyncset.done $0x0  }
0x4a: {  	[sflag:s22] =	ssyncadd.s32 $0xFFFFCC00  }
0x4b: {  	[tilespmem:s21], [sflag:$0x2] =	stream.indirect.gather [hbm4b:s3+s20], $0x80, s23, s20, $0xb8;
	[tilespmem:$0x1FD80] =	vst v63  }
0x4c: {  	_ =	swait.ge [sflag:s17], $0x3400  }
0x4d: {  	[sflag:s17] =	ssyncset.done $0x0  }
0x4e: {  	[sflag:s17] =	ssyncadd.s32 $0xFFFFCC00  }
0x4f: {  	[spmem:s1] =	stream.indirect.scatter.add.f32 [tilespmem:s19], [sflag:$0x3], $0x80, s24, s20, $0xb8;
	[tilespmem:$0x1FD80] =	vst v63  }
0x50: {  	_ =	swait.ge [sflag:s22], $0x3400  }
0x51: {  	[sflag:s22] =	ssyncset.done $0x0  }
0x52: {  	[sflag:s22] =	ssyncadd.s32 $0xFFFFCC00  }
0x53: {  	_ =	swait.ge [sflag:s18], $0x3400  }
0x54: {  	[sflag:s18] =	ssyncset.done $0x0  }
0x55: {  	[sflag:s18] =	ssyncadd.s32 $0xFFFFCC00  }
0x56: {  	[spmem:s1] =	stream.indirect.scatter.add.f32 [tilespmem:s21], [sflag:$0x3], $0x80, s25, s20, $0xb8;
	[tilespmem:$0x1FD80] =	vst v63  }
0x57: {  	_ =	swait.ge [sflag:s22], $0x3400  }
0x58: {  	[sflag:s22] =	ssyncset.done $0x0  }
0x59: {  	[sflag:s22] =	ssyncadd.s32 $0xFFFFCC00  }
0x5a: {  	s28 =	sor.u32 $0x1C03, s5;
	[bflag:$0x0] =	sbarrier.arrive $0xFFFF  }
0x5b: {  	[hbm:s9], [sflag:s28] =	dma.local [spmem:s12], $0x2700  }
0x5c: {  	_ =	swait.ge [sflag:s22], $0x2700  }
0x5d: {  	s26 =	sadd.s32 $0x1, s26;
	[sflag:s22] =	ssyncset.done $0x0  }
0x5e: {  	p1 =	sne.s32 s26, s11;
	[sflag:s22] =	ssyncadd.s32 $0xFFFFD900  }
0x5f: {  	[hbm:s10], [sflag:s28] =	dma.local @!p0 [spmem:s16], $0x100  }
.Ltmp1:
0x60: {  	_ = 	snop;
	(pc) =	sbr.rel @p1 .LBB2_1-.Ltmp1, $4  }
0x61: {  	s28 =	simm.s32 @!p0 $0x3  }
0x62: {  	_ =	swait.ge @!p0 [sflag:s28], $0x100  }
0x63: {  	[sflag:s28] =	ssyncset.done @!p0 $0x0  }
0x64: {  	[sflag:s28] =	ssyncadd.s32 @!p0 $0xFFFFFF00  }
0x65: {  	_ =	sfence.sel $0x180000  }
0x66: {  	[bflag:$0x0] =	sbarrier.arrive $0xFFFF  }
0x67: {  	_ =	strace $0x9000004A  }
0x68: {  	s0 =	sadd.s32 @!p0 $0x100000, s0;
	[bflag:$0x2] =	sbarrier.arrive $0xFFFF  }
0x69: {  	[sflag:s0] =	ssyncadd.tile.s32 @!p0 $0x1;
	_ =	shalt  }
.Lfunc_end2:
_tile_overlayer_lowered:
.L_overlay_start_2:
0x6a: {  	(tag) =	ssettag $0x2  }
0x6b: {  	s0 =	rddreg [dreg:$0x0];
	s2 =	stileid.u32  }
0x6c: {  	s1 =	rddreg [dreg:$0x1];
	p0 =	sne.s32 s2, $0x0  }
0x6d: {  	s3 =	rddreg [dreg:$0x2];
	[bflag:$0x3] =	sbarrier.arrive $0xFFFF;
	s2 =	simm.s32 @!p0 $0x1C03  }
0x6e: {  	[timem:s3], [sflag:s2] =	dma.local @!p0 [hbm:s0], s1  }
0x6f: {  	s0 =	simm.s32 @!p0 $0x3  }
0x70: {  	_ =	swait.ge @!p0 [sflag:s0], s1  }
0x71: {  	s1 =	ssub.s32 @!p0 $0x0, s1;
	[sflag:s0] =	ssyncset.done @!p0 $0x0  }
0x72: {  	[sflag:s0] =	ssyncadd.s32 @!p0 s1  }
0x73: {  	[bflag:$0x3] =	sbarrier.arrive $0xFFFF  }
0x74: {  	_ =	shalt  }

// kernel: kernel.14.cloned.1.call-start
scs
__scs_entry_jumppad:
0x0: {  	(pc) =	sbr.rel $0x88, $3  }
0x1: {  	(tag) =	ssettag $0x0;
	lr =	simm.s32 $0x1  }
0x2: {  	[smem:$0x3F9B] =	sst lr;
	_ =	strace $0xD0000000  }
0x3: {  	_ = 	snop  }
0x4: {  	_ = 	snop  }
0x5: {  	_ = 	snop  }
0x6: {  	_ = 	snop  }
0x7: {  	_ = 	snop  }
__scs_overlays_trampoline_lowered:
0x8: {  	[smem:$0x3FAA] =	sst s0  }
0x9: {  	[smem:$0x3FAB] =	sst s1  }
0xa: {  	[smem:$0x3FAC] =	sst s2  }
0xb: {  	[smem:$0x3FAD] =	sst s3  }
0xc: {  	[smem:$0x3FAE] =	sst s4  }
0xd: {  	[smem:$0x3FAF] =	sst s5  }
0xe: {  	[smem:$0x3FB0] =	sst s6  }
0xf: {  	[smem:$0x3FB1] =	sst s7  }
0x10: {  	[smem:$0x3FB2] =	sst s8  }
0x11: {  	[smem:$0x3FB3] =	sst s9;
	s0 =	simm.s32 @!p0 $0x0  }
0x12: {  	s1 =	sld [smem:$0x3F99];
	s0 =	simm.s32 @p0 $0x1  }
0x13: {  	[smem:$0x3FB4] =	sst s0;
	s0 =	simm.s32 @!p1 $0x0  }
0x14: {  	s2 =	sld [smem:$0x3F98];
	s0 =	simm.s32 @p1 $0x1  }
0x15: {  	[smem:$0x3FB5] =	sst s0;
	s0 =	simm.s32 @!p2 $0x0  }
0x16: {  	s3 =	sld [smem:$0x3FDB];
	s0 =	simm.s32 @p2 $0x1  }
0x17: {  	s4 =	simm.s32 $0x1BF5;
	[smem:$0x3FB7] =	sst s0  }
0x18: {  	s0 =	sld [smem:$0x3F9A];
	_ =	swait.ge [sflag:s4], $0x0  }
0x19: {  	s7 =	sld [smem:$0x3F9B]  }
0x1a: {  	s8 =	sadd.s32 $0xFFFFE003, lr  }
0x1b: {  	s9 =	sadd.s32 $0xFFFFFEF7, lr;
	s5 =	simm.s32 $0xFFFFFFFF;
	p2 =	slt.u32 s8, $0xFFFFF086  }
0x1c: {  	p1 =	slt.u32 s9, $0xF7A;
	s5 =	simm.s32 @!p2 $0x0  }
0x1d: {  	s5 =	simm.s32 @p1 $0x1;
	p0 =	seq.s32 s7, s2  }
0x1e: {  	s7 =	smul.u32 @!p0 $0xF7A, s2;
	p2 =	seq.s32 @!p0 s5, $0x0  }
0x1f: {  	s9 =	smul.u32 $0xF7A, s1;
	s8 =	simm.s32 @!p0 $0x1BF5;
	p2 =	por !p2, p0  }
0x20: {  	[sflag:s8] =	ssyncset.s32 @!p0 $0xFFFFF086;
	s6 =	sadd.s32 @!p0 s3, s7;
	s7 =	simm.s32 @!p0 $0x108  }
0x21: {  	s3 =	sadd.s32 s3, s9;
	s6 =	sadd.s32 @!p0 $0x88, s6;
	s7 =	simm.s32 @p2 $0x1082  }
0x22: {  	[simem:s7], [sflag:s8] =	dma.local @!p0 [hbm:s6], $0xF7A  }
0x23: {  	s9 =	sor.u32 $0xD0000000, s2;
	s6 =	simm.s32 $0x108;
	_ =	swait.ge @!p0 [sflag:s8], $0x0  }
0x24: {  	s3 =	sadd.s32 $0x88, s3;
	s6 =	simm.s32 @!p1 $0x1082;
	[sflag:s4] =	ssyncset.s32 $0xFFFFF086  }
0x25: {  	[simem:s6], [sflag:s4] =	dma.local [hbm:s3], $0xF7A  }
0x26: {  	[smem:$0x3F9B] =	sst s1;
	(tag) =	ssettag s2;
	_ =	strace s9  }
0x27: {  	s1 =	sld [smem:$0x3FAB]  }
0x28: {  	s2 =	sld [smem:$0x3FAC]  }
0x29: {  	s4 =	sld [smem:$0x3FAE]  }
0x2a: {  	p0 =	seq.s32 s5, $0x0;
	s5 =	sld [smem:$0x3FAF]  }
0x2b: {  	s6 =	sld [smem:$0x3FB0]  }
0x2c: {  	s7 =	sld [smem:$0x3FB1]  }
0x2d: {  	s3 =	simm.s32 $0x108;
	s8 =	sld [smem:$0x3FB2]  }
0x2e: {  	s3 =	simm.s32 @!p0 $0x1082;
	s9 =	sld [smem:$0x3FB3]  }
0x2f: {  	lr =	sadd.s32 s0, s3;
	s0 =	sld [smem:$0x3FAA]  }
0x30: {  	s3 =	sld [smem:$0x3FAD]  }
0x31: {  	[smem:$0x3FB6] =	sst s10  }
0x32: {  	s10 =	sld [smem:$0x3FB4];
	_ =	sdelay $0x3  }
0x33: {  	p0 =	seq.s32 s10, $0x1;
	s10 =	sld [smem:$0x3FB6];
	_ =	sdelay $0x3  }
0x34: {  	[smem:$0x3FB6] =	sst s10  }
0x35: {  	s10 =	sld [smem:$0x3FB5];
	_ =	sdelay $0x3  }
0x36: {  	p1 =	seq.s32 s10, $0x1;
	s10 =	sld [smem:$0x3FB6];
	_ =	sdelay $0x3  }
0x37: {  	[smem:$0x3FB6] =	sst s10  }
0x38: {  	s10 =	sld [smem:$0x3FB7]  }
0x39: {  	_ = 	snop;
	(pc) =	sbr.ind lr, $3  }
0x3a: {  	_ = 	snop  }
0x3b: {  	_ = 	snop  }
0x3c: {  	p2 =	seq.s32 s10, $0x1;
	s10 =	sld [smem:$0x3FB6]  }
0x3d: {  	_ =	shalt  }
0x3e: {  	_ =	shalt  }
0x3f: {  	_ =	shalt  }
0x40: {  	_ =	shalt  }
0x41: {  	_ =	shalt  }
0x42: {  	_ =	shalt  }
0x43: {  	_ =	shalt  }
0x44: {  	_ =	shalt  }
0x45: {  	_ =	shalt  }
0x46: {  	_ =	shalt  }
0x47: {  	_ =	shalt  }
0x48: {  	_ =	shalt  }
0x49: {  	_ =	shalt  }
0x4a: {  	_ =	shalt  }
0x4b: {  	_ =	shalt  }
0x4c: {  	_ =	shalt  }
0x4d: {  	_ =	shalt  }
0x4e: {  	_ =	shalt  }
0x4f: {  	_ =	shalt  }
0x50: {  	_ =	shalt  }
0x51: {  	_ =	shalt  }
0x52: {  	_ =	shalt  }
0x53: {  	_ =	shalt  }
0x54: {  	_ =	shalt  }
0x55: {  	_ =	shalt  }
0x56: {  	_ =	shalt  }
0x57: {  	_ =	shalt  }
0x58: {  	_ =	shalt  }
0x59: {  	_ =	shalt  }
0x5a: {  	_ =	shalt  }
0x5b: {  	_ =	shalt  }
0x5c: {  	_ =	shalt  }
0x5d: {  	_ =	shalt  }
0x5e: {  	_ =	shalt  }
0x5f: {  	_ =	shalt  }
0x60: {  	_ =	shalt  }
0x61: {  	_ =	shalt  }
0x62: {  	_ =	shalt  }
0x63: {  	_ =	shalt  }
0x64: {  	_ =	shalt  }
0x65: {  	_ =	shalt  }
0x66: {  	_ =	shalt  }
0x67: {  	_ =	shalt  }
0x68: {  	_ =	shalt  }
0x69: {  	_ =	shalt  }
0x6a: {  	_ =	shalt  }
0x6b: {  	_ =	shalt  }
0x6c: {  	_ =	shalt  }
0x6d: {  	_ =	shalt  }
0x6e: {  	_ =	shalt  }
0x6f: {  	_ =	shalt  }
0x70: {  	_ =	shalt  }
0x71: {  	_ =	shalt  }
0x72: {  	_ =	shalt  }
0x73: {  	_ =	shalt  }
0x74: {  	_ =	shalt  }
0x75: {  	_ =	shalt  }
0x76: {  	_ =	shalt  }
0x77: {  	_ =	shalt  }
0x78: {  	_ =	shalt  }
0x79: {  	_ =	shalt  }
0x7a: {  	_ =	shalt  }
0x7b: {  	_ =	shalt  }
0x7c: {  	_ =	shalt  }
0x7d: {  	_ =	shalt  }
0x7e: {  	_ =	shalt  }
0x7f: {  	_ =	shalt  }
0x80: {  	_ =	shalt  }
0x81: {  	_ =	shalt  }
0x82: {  	_ =	shalt  }
0x83: {  	_ =	shalt  }
0x84: {  	_ =	shalt  }
0x85: {  	_ =	shalt  }
0x86: {  	_ =	shalt  }
0x87: {  	_ =	shalt  }
.Lfunc_end0:
.L_simem_size_0:
called_computation.2_lowered:
.L_overlay_start_0:
0x88: {  	s2 =	sld [smem:$0x3FD9]  }
0x89: {  	s3 =	sld [smem:$0x3FFE];
	_ =	sdelay $0x1  }
0x8a: {  	s1 =	srdreg.scid  }
0x8b: {  	s0 =	sand.u32 $0x1, s1  }
0x8c: {  	s17 =	sshll.u32 s0, $0xA;
	s2 =	sadd.s32 s3, s2  }
0x8d: {  	s2 =	sadd.s32 s2, s17  }
0x8e: {  	[smem:$0x3FC2] =	sst s2  }
0x8f: {  	_ = 	snop  }
0x90: {  	s2 =	sld [smem:$0x3FD0];
	(tm) =	ssettm $0x1  }
0x91: {  	s18 =	sld [smem:$0x3FFB];
	_ =	sdelay $0x3  }
0x92: {  	_ =	strace s18  }
0x93: {  	s3 =	sld [smem:$0x3FFC];
	_ =	sdelay $0x3  }
0x94: {  	_ =	strace s3  }
0x95: {  	s3 =	sld [smem:$0x3FFD];
	_ =	sdelay $0x3  }
0x96: {  	_ =	strace s3  }
0x97: {  	_ =	strace $0x8FFFFFFF  }
0x98: {  	s19 =	sld [smem:$0x3FDB];
	_ =	sdelay $0x1  }
0x99: {  	s4 =	simm.s32 $_scs_section_size  }
0x9a: {  	s5 =	simm.s32 $_size__tile_overlayer_lowered;
	s6 =	simm.s32 $_tile_overlayer_lowered  }
0x9b: {  	s22 =	simm.s32 $0x1BFF;
	s21 =	sshll.u32 s6, $0x1;
	s3 =	sadd.s32 s4, s19  }
0x9c: {  	s7 =	simm.s32 $0x0;
	s20 =	sshll.u32 s5, $0x1;
	s5 =	sadd.s32 s21, s3  }
0x9d: {  	[timem:s7], [sflag:s22] =	dma.local [hbm:s5], s20  }
0x9e: {  	_ =	swait.ge [sflag:s22], s20  }
0x9f: {  	s4 =	ssub.s32 $0x0, s20;
	[sflag:s22] =	ssyncset.done $0x0  }
0xa0: {  	[sflag:s22] =	ssyncadd.s32 s4;
	_ =	sdelay $0x1  }
0xa1: {  	s23 =	simm.s32 $0x1B8B  }
0xa2: {  	_ =	swait.ge [sflag:s23], $0x1  }
0xa3: {  	[sflag:s23] =	ssyncset.done $0x0  }
0xa4: {  	s25 =	simm.s32 $0x1B8E;
	s24 =	sld [smem:$0x3FFE];
	[sflag:s23] =	ssyncadd.s32 $0xFFFFFFFF  }
0xa5: {  	s26 =	simm.s32 $execute0_lowered;
	[smem:$0x3FD2] =	sst s25  }
0xa6: {  	s5 =	sshll.u32 s26, $0x1;
	_ =	strace $0x8000004C;
	[dreg:$0x1] =	wrdreg $0xFFFFFFFF  }
0xa7: {  	s28 =	simm.s32 $_size_execute0_lowered;
	s3 =	sadd.s32 s3, s5;
	[dreg:$0x0] =	wrdreg $0x0  }
0xa8: {  	s5 =	sshll.u32 s28, $0x1;
	[dreg:$0x2] =	wrdreg s3  }
0xa9: {  	[dreg:$0x3] =	wrdreg s5  }
0xaa: {  	[dreg:$0x4] =	wrdreg $0xC0  }
0xab: {  	_ =	task [dreg:s7], $0x5FFFF  }
0xac: {  	[dreg:$0x1] =	wrdreg $0xFFFFFFFF  }
0xad: {  	[dreg:$0x0] =	wrdreg $0x60  }
0xae: {  	[dreg:$0x2] =	wrdreg s24  }
0xaf: {  	[dreg:$0x3] =	wrdreg s2  }
0xb0: {  	[dreg:$0x4] =	wrdreg $0xC5000  }
0xb1: {  	[dreg:$0x5] =	wrdreg $0x9  }
0xb2: {  	_ =	task.clear_ibuf [dreg:s7], $0x6FFFF;
	_ =	strace $0x9000004C  }
0xb3: {  	s29 =	simm.s32 $0x9;
	_ =	strace $0x8000004E  }
0xb4: {  	_ =	swait.ge [sflag:s29], $0x1  }
0xb5: {  	[sflag:s29] =	ssyncadd.s32 $0xFFFFFFFF  }
0xb6: {  	_ =	strace $0x9000004E  }
0xb7: {  	_ =	sfence  }
0xb8: {  	s30 =	sld [smem:$0x0];
	_ =	sdelay $0x2  }
0xb9: {  	s31 =	sshll.u32 s1, $0xD;
	s1 =	sshrl.u32 s1, $0x2  }
0xba: {  	s3 =	sand.u32 $0x4000, s31;
	s1 =	sadd.s32 s1, s30  }
0xbb: {  	s0 =	sor.u32 s3, s0;
	s1 =	sshll.u32 s1, $0x11  }
0xbc: {  	s0 =	sor.u32 s1, s0  }
0xbd: {  	s0 =	sadd.s32 $0x8F2B, s0  }
0xbe: {  	[sflag:s0] =	ssyncadd.remote.s32 $0x1  }
0xbf: {  	_ =	sfence.sel $0xFFFF  }
0xc0: {  	[dreg:$0x0] =	wrdreg $0xFFFFFFFF;
	(pc) =	sbr.abs _section_cstart, $3  }
0xc1: {  	[dreg:$0x1] =	wrdreg $0xFFFFFFFF  }
0xc2: {  	_ =	task.clear_ibuf [dreg:s7], $0x2FFFF;
	_ =	strace $0x9FFFFFFF  }
0xc3: {  	(tm) =	ssettm $0x7FFFFFFF  }
tec
execute0_lowered:
.L_overlay_start_1:
0x0: {  	(tag) =	ssettag $0x1  }
0x1: {  	s5 =	rddreg [dreg:$0x0]  }
0x2: {  	s0 =	srdreg.scid;
	s8 =	rddreg [dreg:$0x1]  }
0x3: {  	s12 =	stileid.u32;
	s1 =	rddreg [dreg:$0x2]  }
0x4: {  	s2 =	simm.s32 $0x0;
	s19 =	simm.s32 $0x5D00;
	s20 =	simm.s32 $0x68  }
0x5: {  	s21 =	simm.s32 $0x9100;
	s22 =	simm.s32 $0x3;
	s23 =	simm.s32 $0x2838  }
0x6: {  	s24 =	simm.s32 $0x5A00;
	s25 =	simm.s32 $0x5A80;
	s26 =	simm.s32 $0x0  }
0x7: {  	s6 =	sand.u32 $0x1, s0;
	s4 =	sshll.u32 s12, $0x7;
	s9 =	smul.u32 $0x2700, s12  }
0x8: {  	[smem:$0x7FF] =	sst s2;
	s13 =	smul.u32 $0x4E000, s12;
	s16 =	sadd.s32 $0x3FE00, s5  }
0x9: {  	s18 =	sadd.s32 $0x138000, s1;
	p0 =	sne.s32 s12, $0x0;
	s0 =	sshll.u32 s6, $0x4  }
0xa: {  	s4 =	sand.u32 $0x380, s4;
	s11 =	ssub.s32 $0x2, s6;
	s28 =	smul.u32 $0x27100, s6  }
0xb: {  	s30 =	smul.u32 $0x138800, s6;
	s7 =	sor.u32 s12, s0;
	s0 =	rddreg [dreg:$0x3]  }
0xc: {  	_ =	strace $0x8000004D;
	s14 =	sshrl.u32 s11, $0x1;
	s29 =	sshrl.u32 s13, $0x2  }
0xd: {  	s13 =	simm.s32 $0x80;
	s3 =	sshrl.u32 s7, $0x3;
	s15 =	smul.u32 $0x680, s7  }
0xe: {  	s11 =	ssub.s32 s11, s14;
	s17 =	sadd.s32 s29, s1;
	s3 =	smul.u32 $0x14800, s3  }
0xf: {  	s9 =	sadd.s32 s9, s28;
	s31 =	sshrl.u32 s30, $0x3;
	s14 =	simm.s32 $0x400  }
0x10: {  	s9 =	sadd.s32 s16, s9;
	s11 =	smax.u32 s11, $0x1;
	s4 =	sor.u32 s4, s3  }
0x11: {  	s8 =	sadd.s32 s8, s15;
	s15 =	simm.s32 $0x2900;
	s4 =	sshrl.u32 s4, $0x3  }
0x12: {  	s3 =	sadd.s32 $0x17E00, s5;
	s10 =	sadd.s32 s4, s5;
	s4 =	sadd.s32 $0x2A00, s5  }
0x13: {  	s5 =	sshll.u32 s12, $0x6;
	s12 =	sshrl.u32 s17, $0x3;
	s17 =	simm.s32 $0x1  }
0x14: {  	s6 =	sor.u32 $0x1C01, s5;
	s7 =	sadd.s32 $0xDA00, s10;
	s10 =	sadd.s32 s16, s31  }
0x15: {  	s16 =	sshrl.u32 @!p0 s18, $0x3;
	s18 =	simm.s32 $0x2;
	s10 =	sadd.s32 $0x27000, s10  }
.LBB2_1:
0x16: {  	[spmem:s12], [sflag:s6] =	dma.local [hbm:s4], $0x2700  }
0x17: {  	[tilespmem:s2], [sflag:$0x2] =	stream.strided.gather [hbm4b:s7+s13], $0x2900, s14, s13, $0x38;
	[tilespmem:$0x1FD80] =	vst v63  }
0x18: {  	s28 =	simm.s32 @!p0 $0x1C03  }
0x19: {  	[tilespmem:s15], [sflag:$0x2] =	stream.linear.gather [hbm4b:s8+s2], $0x3200, $0x38;
	[tilespmem:$0x1FD80] =	vst v63  }
0x1a: {  	[spmem:s16], [sflag:s28] =	dma.local @!p0 [hbm:s4], $0x100  }
0x1b: {  	s28 =	simm.s32 @!p0 $0x3  }
0x1c: {  	_ =	swait.ge @!p0 [sflag:s28], $0x100  }
0x1d: {  	[sflag:s28] =	ssyncset.done @!p0 $0x0  }
0x1e: {  	[sflag:s28] =	ssyncadd.s32 @!p0 $0xFFFFFF00  }
0x1f: {  	_ =	swait.ge [sflag:s17], $0x2700  }
0x20: {  	[sflag:s17] =	ssyncset.done $0x0  }
0x21: {  	[sflag:s17] =	ssyncadd.s32 $0xFFFFD900  }
0x22: {  	_ =	swait.ge [sflag:s18], $0x2900  }
0x23: {  	[sflag:s18] =	ssyncset.done $0x0  }
0x24: {  	[sflag:s18] =	ssyncadd.s32 $0xFFFFD700  }
0x25: {  	_ =	swait.ge [sflag:s18], $0x3200  }
0x26: {  	[sflag:s18] =	ssyncset.done $0x0  }
0x27: {  	[sflag:s18] =	ssyncadd.s32 $0xFFFFCE00  }
0x28: {  	[bflag:$0x0] =	sbarrier.arrive $0xFFFF  }
0x29: {  	[tilespmem:s19], [sflag:$0x1] =	stream.indirect.gather [hbm4b:s3+s20], $0x80, s2, s20, $0xb8;
	[tilespmem:$0x1FD80] =	vst v63  }
0x2a: {  	_ = 	snop  }
0x2b: {  	[tilespmem:s21], [sflag:$0x2] =	stream.indirect.gather [hbm4b:s3+s20], $0x80, s20, s20, $0xb8;
	[tilespmem:$0x1FD80] =	vst v63  }
0x2c: {  	_ =	swait.ge [sflag:s17], $0x3400  }
0x2d: {  	[sflag:s17] =	ssyncset.done $0x0  }
0x2e: {  	s28 =	simm.s32 $0x2900;
	[sflag:s17] =	ssyncadd.s32 $0xFFFFCC00  }
0x2f: {  	[spmem:s1] =	stream.indirect.scatter.add.f32 [tilespmem:s19], [sflag:$0x3], $0x80, s28, s20, $0xb8;
	[tilespmem:$0x1FD80] =	vst v63  }
0x30: {  	_ =	swait.ge [sflag:s22], $0x3400  }
0x31: {  	[sflag:s22] =	ssyncset.done $0x0  }
0x32: {  	s28 =	simm.s32 $0xD0;
	[sflag:s22] =	ssyncadd.s32 $0xFFFFCC00  }
0x33: {  	[tilespmem:s19], [sflag:$0x1] =	stream.indirect.gather [hbm4b:s3+s20], $0x80, s28, s20, $0xb8;
	[tilespmem:$0x1FD80] =	vst v63  }
0x34: {  	_ =	swait.ge [sflag:s18], $0x3400  }
0x35: {  	[sflag:s18] =	ssyncset.done $0x0  }
0x36: {  	s28 =	simm.s32 $0x2980;
	[sflag:s18] =	ssyncadd.s32 $0xFFFFCC00  }
0x37: {  	[spmem:s1] =	stream.indirect.scatter.add.f32 [tilespmem:s21], [sflag:$0x3], $0x80, s28, s20, $0xb8;
	[tilespmem:$0x1FD80] =	vst v63  }
0x38: {  	_ =	swait.ge [sflag:s22], $0x3400  }
0x39: {  	s29 =	simm.s32 $0x68;
	s28 =	simm.s32 $0x400;
	[sflag:s22] =	ssyncset.done $0x0  }
.LBB2_2:
0x3a: {  	p1 =	sne.s32 s28, $0xC000;
	[sflag:s22] =	ssyncadd.s32 $0xFFFFCC00;
	s29 =	sadd.s32 $0xD0, s29  }
0x3b: {  	[tilespmem:s21], [sflag:$0x2] =	stream.indirect.gather [hbm4b:s3+s20], $0x80, s29, s20, $0xb8;
	[tilespmem:$0x1FD80] =	vst v63  }
0x3c: {  	s30 =	smov.u32 s28;
	s28 =	sadd.s32 $0x400, s28;
	_ =	swait.ge [sflag:s17], $0x3400  }
0x3d: {  	s30 =	sshra.s32 s30, $0x2;
	[sflag:s17] =	ssyncset.done $0x0  }
0x3e: {  	s31 =	sadd.s32 $0x2900, s30;
	[sflag:s17] =	ssyncadd.s32 $0xFFFFCC00  }
0x3f: {  	[spmem:s1] =	stream.indirect.scatter.add.f32 [tilespmem:s19], [sflag:$0x3], $0x80, s31, s20, $0xb8;
	[tilespmem:$0x1FD80] =	vst v63  }
0x40: {  	_ =	swait.ge [sflag:s22], $0x3400  }
0x41: {  	[sflag:s22] =	ssyncset.done $0x0  }
0x42: {  	s31 =	sadd.s32 $0x68, s29;
	[sflag:s22] =	ssyncadd.s32 $0xFFFFCC00  }
0x43: {  	[tilespmem:s19], [sflag:$0x1] =	stream.indirect.gather [hbm4b:s3+s20], $0x80, s31, s20, $0xb8;
	[tilespmem:$0x1FD80] =	vst v63  }
0x44: {  	_ =	swait.ge [sflag:s18], $0x3400  }
.Ltmp0:
0x45: {  	[sflag:s18] =	ssyncset.done $0x0;
	(pc) =	sbr.rel @p1 .LBB2_2-.Ltmp0, $4  }
0x46: {  	s30 =	sadd.s32 $0x2980, s30;
	[sflag:s18] =	ssyncadd.s32 $0xFFFFCC00  }
0x47: {  	[spmem:s1] =	stream.indirect.scatter.add.f32 [tilespmem:s21], [sflag:$0x3], $0x80, s30, s20, $0xb8;
	[tilespmem:$0x1FD80] =	vst v63  }
0x48: {  	_ =	swait.ge [sflag:s22], $0x3400  }
0x49: {  	[sflag:s22] =	ssyncset.done $0x0  }
0x4a: {  	[sflag:s22] =	ssyncadd.s32 $0xFFFFCC00  }
0x4b: {  	[tilespmem:s21], [sflag:$0x2] =	stream.indirect.gather [hbm4b:s3+s20], $0x80, s23, s20, $0xb8;
	[tilespmem:$0x1FD80] =	vst v63  }
0x4c: {  	_ =	swait.ge [sflag:s17], $0x3400  }
0x4d: {  	[sflag:s17] =	ssyncset.done $0x0  }
0x4e: {  	[sflag:s17] =	ssyncadd.s32 $0xFFFFCC00  }
0x4f: {  	[spmem:s1] =	stream.indirect.scatter.add.f32 [tilespmem:s19], [sflag:$0x3], $0x80, s24, s20, $0xb8;
	[tilespmem:$0x1FD80] =	vst v63  }
0x50: {  	_ =	swait.ge [sflag:s22], $0x3400  }
0x51: {  	[sflag:s22] =	ssyncset.done $0x0  }
0x52: {  	[sflag:s22] =	ssyncadd.s32 $0xFFFFCC00  }
0x53: {  	_ =	swait.ge [sflag:s18], $0x3400  }
0x54: {  	[sflag:s18] =	ssyncset.done $0x0  }
0x55: {  	[sflag:s18] =	ssyncadd.s32 $0xFFFFCC00  }
0x56: {  	[spmem:s1] =	stream.indirect.scatter.add.f32 [tilespmem:s21], [sflag:$0x3], $0x80, s25, s20, $0xb8;
	[tilespmem:$0x1FD80] =	vst v63  }
0x57: {  	_ =	swait.ge [sflag:s22], $0x3400  }
0x58: {  	[sflag:s22] =	ssyncset.done $0x0  }
0x59: {  	[sflag:s22] =	ssyncadd.s32 $0xFFFFCC00  }
0x5a: {  	s28 =	sor.u32 $0x1C03, s5;
	[bflag:$0x0] =	sbarrier.arrive $0xFFFF  }
0x5b: {  	[hbm:s9], [sflag:s28] =	dma.local [spmem:s12], $0x2700  }
0x5c: {  	_ =	swait.ge [sflag:s22], $0x2700  }
0x5d: {  	s26 =	sadd.s32 $0x1, s26;
	[sflag:s22] =	ssyncset.done $0x0  }
0x5e: {  	p1 =	sne.s32 s26, s11;
	[sflag:s22] =	ssyncadd.s32 $0xFFFFD900  }
0x5f: {  	[hbm:s10], [sflag:s28] =	dma.local @!p0 [spmem:s16], $0x100  }
.Ltmp1:
0x60: {  	_ = 	snop;
	(pc) =	sbr.rel @p1 .LBB2_1-.Ltmp1, $4  }
0x61: {  	s28 =	simm.s32 @!p0 $0x3  }
0x62: {  	_ =	swait.ge @!p0 [sflag:s28], $0x100  }
0x63: {  	[sflag:s28] =	ssyncset.done @!p0 $0x0  }
0x64: {  	[sflag:s28] =	ssyncadd.s32 @!p0 $0xFFFFFF00  }
0x65: {  	_ =	sfence.sel $0x180000  }
0x66: {  	[bflag:$0x0] =	sbarrier.arrive $0xFFFF  }
0x67: {  	_ =	strace $0x9000004D  }
0x68: {  	s0 =	sadd.s32 @!p0 $0x100000, s0;
	[bflag:$0x2] =	sbarrier.arrive $0xFFFF  }
0x69: {  	[sflag:s0] =	ssyncadd.tile.s32 @!p0 $0x1;
	_ =	shalt  }
.Lfunc_end2:
_tile_overlayer_lowered:
.L_overlay_start_2:
0x6a: {  	(tag) =	ssettag $0x2  }
0x6b: {  	s0 =	rddreg [dreg:$0x0];
	s2 =	stileid.u32  }
0x6c: {  	s1 =	rddreg [dreg:$0x1];
	p0 =	sne.s32 s2, $0x0  }
0x6d: {  	s3 =	rddreg [dreg:$0x2];
	[bflag:$0x3] =	sbarrier.arrive $0xFFFF;
	s2 =	simm.s32 @!p0 $0x1C03  }
0x6e: {  	[timem:s3], [sflag:s2] =	dma.local @!p0 [hbm:s0], s1  }
0x6f: {  	s0 =	simm.s32 @!p0 $0x3  }
0x70: {  	_ =	swait.ge @!p0 [sflag:s0], s1  }
0x71: {  	s1 =	ssub.s32 @!p0 $0x0, s1;
	[sflag:s0] =	ssyncset.done @!p0 $0x0  }
0x72: {  	[sflag:s0] =	ssyncadd.s32 @!p0 s1  }
0x73: {  	[bflag:$0x3] =	sbarrier.arrive $0xFFFF  }
0x74: {  	_ =	shalt  }

// kernel: kernel.8.cloned.1.call-start
scs
__scs_entry_jumppad:
0x0: {  	(pc) =	sbr.rel $0x88, $3  }
0x1: {  	(tag) =	ssettag $0x0;
	lr =	simm.s32 $0x1  }
0x2: {  	[smem:$0x3F9B] =	sst lr;
	_ =	strace $0xD0000000  }
0x3: {  	_ = 	snop  }
0x4: {  	_ = 	snop  }
0x5: {  	_ = 	snop  }
0x6: {  	_ = 	snop  }
0x7: {  	_ = 	snop  }
__scs_overlays_trampoline_lowered:
0x8: {  	[smem:$0x3FAA] =	sst s0  }
0x9: {  	[smem:$0x3FAB] =	sst s1  }
0xa: {  	[smem:$0x3FAC] =	sst s2  }
0xb: {  	[smem:$0x3FAD] =	sst s3  }
0xc: {  	[smem:$0x3FAE] =	sst s4  }
0xd: {  	[smem:$0x3FAF] =	sst s5  }
0xe: {  	[smem:$0x3FB0] =	sst s6  }
0xf: {  	[smem:$0x3FB1] =	sst s7  }
0x10: {  	[smem:$0x3FB2] =	sst s8  }
0x11: {  	[smem:$0x3FB3] =	sst s9;
	s0 =	simm.s32 @!p0 $0x0  }
0x12: {  	s1 =	sld [smem:$0x3F99];
	s0 =	simm.s32 @p0 $0x1  }
0x13: {  	[smem:$0x3FB4] =	sst s0;
	s0 =	simm.s32 @!p1 $0x0  }
0x14: {  	s2 =	sld [smem:$0x3F98];
	s0 =	simm.s32 @p1 $0x1  }
0x15: {  	[smem:$0x3FB5] =	sst s0;
	s0 =	simm.s32 @!p2 $0x0  }
0x16: {  	s3 =	sld [smem:$0x3FDB];
	s0 =	simm.s32 @p2 $0x1  }
0x17: {  	s4 =	simm.s32 $0x1BF5;
	[smem:$0x3FB7] =	sst s0  }
0x18: {  	s0 =	sld [smem:$0x3F9A];
	_ =	swait.ge [sflag:s4], $0x0  }
0x19: {  	s7 =	sld [smem:$0x3F9B]  }
0x1a: {  	s8 =	sadd.s32 $0xFFFFE003, lr  }
0x1b: {  	s9 =	sadd.s32 $0xFFFFFEF7, lr;
	s5 =	simm.s32 $0xFFFFFFFF;
	p2 =	slt.u32 s8, $0xFFFFF086  }
0x1c: {  	p1 =	slt.u32 s9, $0xF7A;
	s5 =	simm.s32 @!p2 $0x0  }
0x1d: {  	s5 =	simm.s32 @p1 $0x1;
	p0 =	seq.s32 s7, s2  }
0x1e: {  	s7 =	smul.u32 @!p0 $0xF7A, s2;
	p2 =	seq.s32 @!p0 s5, $0x0  }
0x1f: {  	s9 =	smul.u32 $0xF7A, s1;
	s8 =	simm.s32 @!p0 $0x1BF5;
	p2 =	por !p2, p0  }
0x20: {  	[sflag:s8] =	ssyncset.s32 @!p0 $0xFFFFF086;
	s6 =	sadd.s32 @!p0 s3, s7;
	s7 =	simm.s32 @!p0 $0x108  }
0x21: {  	s3 =	sadd.s32 s3, s9;
	s6 =	sadd.s32 @!p0 $0x88, s6;
	s7 =	simm.s32 @p2 $0x1082  }
0x22: {  	[simem:s7], [sflag:s8] =	dma.local @!p0 [hbm:s6], $0xF7A  }
0x23: {  	s9 =	sor.u32 $0xD0000000, s2;
	s6 =	simm.s32 $0x108;
	_ =	swait.ge @!p0 [sflag:s8], $0x0  }
0x24: {  	s3 =	sadd.s32 $0x88, s3;
	s6 =	simm.s32 @!p1 $0x1082;
	[sflag:s4] =	ssyncset.s32 $0xFFFFF086  }
0x25: {  	[simem:s6], [sflag:s4] =	dma.local [hbm:s3], $0xF7A  }
0x26: {  	[smem:$0x3F9B] =	sst s1;
	(tag) =	ssettag s2;
	_ =	strace s9  }
0x27: {  	s1 =	sld [smem:$0x3FAB]  }
0x28: {  	s2 =	sld [smem:$0x3FAC]  }
0x29: {  	s4 =	sld [smem:$0x3FAE]  }
0x2a: {  	p0 =	seq.s32 s5, $0x0;
	s5 =	sld [smem:$0x3FAF]  }
0x2b: {  	s6 =	sld [smem:$0x3FB0]  }
0x2c: {  	s7 =	sld [smem:$0x3FB1]  }
0x2d: {  	s3 =	simm.s32 $0x108;
	s8 =	sld [smem:$0x3FB2]  }
0x2e: {  	s3 =	simm.s32 @!p0 $0x1082;
	s9 =	sld [smem:$0x3FB3]  }
0x2f: {  	lr =	sadd.s32 s0, s3;
	s0 =	sld [smem:$0x3FAA]  }
0x30: {  	s3 =	sld [smem:$0x3FAD]  }
0x31: {  	[smem:$0x3FB6] =	sst s10  }
0x32: {  	s10 =	sld [smem:$0x3FB4];
	_ =	sdelay $0x3  }
0x33: {  	p0 =	seq.s32 s10, $0x1;
	s10 =	sld [smem:$0x3FB6];
	_ =	sdelay $0x3  }
0x34: {  	[smem:$0x3FB6] =	sst s10  }
0x35: {  	s10 =	sld [smem:$0x3FB5];
	_ =	sdelay $0x3  }
0x36: {  	p1 =	seq.s32 s10, $0x1;
	s10 =	sld [smem:$0x3FB6];
	_ =	sdelay $0x3  }
0x37: {  	[smem:$0x3FB6] =	sst s10  }
0x38: {  	s10 =	sld [smem:$0x3FB7]  }
0x39: {  	_ = 	snop;
	(pc) =	sbr.ind lr, $3  }
0x3a: {  	_ = 	snop  }
0x3b: {  	_ = 	snop  }
0x3c: {  	p2 =	seq.s32 s10, $0x1;
	s10 =	sld [smem:$0x3FB6]  }
0x3d: {  	_ =	shalt  }
0x3e: {  	_ =	shalt  }
0x3f: {  	_ =	shalt  }
0x40: {  	_ =	shalt  }
0x41: {  	_ =	shalt  }
0x42: {  	_ =	shalt  }
0x43: {  	_ =	shalt  }
0x44: {  	_ =	shalt  }
0x45: {  	_ =	shalt  }
0x46: {  	_ =	shalt  }
0x47: {  	_ =	shalt  }
0x48: {  	_ =	shalt  }
0x49: {  	_ =	shalt  }
0x4a: {  	_ =	shalt  }
0x4b: {  	_ =	shalt  }
0x4c: {  	_ =	shalt  }
0x4d: {  	_ =	shalt  }
0x4e: {  	_ =	shalt  }
0x4f: {  	_ =	shalt  }
0x50: {  	_ =	shalt  }
0x51: {  	_ =	shalt  }
0x52: {  	_ =	shalt  }
0x53: {  	_ =	shalt  }
0x54: {  	_ =	shalt  }
0x55: {  	_ =	shalt  }
0x56: {  	_ =	shalt  }
0x57: {  	_ =	shalt  }
0x58: {  	_ =	shalt  }
0x59: {  	_ =	shalt  }
0x5a: {  	_ =	shalt  }
0x5b: {  	_ =	shalt  }
0x5c: {  	_ =	shalt  }
0x5d: {  	_ =	shalt  }
0x5e: {  	_ =	shalt  }
0x5f: {  	_ =	shalt  }
0x60: {  	_ =	shalt  }
0x61: {  	_ =	shalt  }
0x62: {  	_ =	shalt  }
0x63: {  	_ =	shalt  }
0x64: {  	_ =	shalt  }
0x65: {  	_ =	shalt  }
0x66: {  	_ =	shalt  }
0x67: {  	_ =	shalt  }
0x68: {  	_ =	shalt  }
0x69: {  	_ =	shalt  }
0x6a: {  	_ =	shalt  }
0x6b: {  	_ =	shalt  }
0x6c: {  	_ =	shalt  }
0x6d: {  	_ =	shalt  }
0x6e: {  	_ =	shalt  }
0x6f: {  	_ =	shalt  }
0x70: {  	_ =	shalt  }
0x71: {  	_ =	shalt  }
0x72: {  	_ =	shalt  }
0x73: {  	_ =	shalt  }
0x74: {  	_ =	shalt  }
0x75: {  	_ =	shalt  }
0x76: {  	_ =	shalt  }
0x77: {  	_ =	shalt  }
0x78: {  	_ =	shalt  }
0x79: {  	_ =	shalt  }
0x7a: {  	_ =	shalt  }
0x7b: {  	_ =	shalt  }
0x7c: {  	_ =	shalt  }
0x7d: {  	_ =	shalt  }
0x7e: {  	_ =	shalt  }
0x7f: {  	_ =	shalt  }
0x80: {  	_ =	shalt  }
0x81: {  	_ =	shalt  }
0x82: {  	_ =	shalt  }
0x83: {  	_ =	shalt  }
0x84: {  	_ =	shalt  }
0x85: {  	_ =	shalt  }
0x86: {  	_ =	shalt  }
0x87: {  	_ =	shalt  }
.Lfunc_end0:
.L_simem_size_0:
called_computation_lowered:
.L_overlay_start_0:
0x88: {  	s2 =	sld [smem:$0x3FD9]  }
0x89: {  	s3 =	sld [smem:$0x3FFE];
	_ =	sdelay $0x1  }
0x8a: {  	s1 =	srdreg.scid  }
0x8b: {  	s0 =	sand.u32 $0x1, s1  }
0x8c: {  	s16 =	sshll.u32 s0, $0xA;
	s2 =	sadd.s32 s3, s2  }
0x8d: {  	s2 =	sadd.s32 s2, s16  }
0x8e: {  	[smem:$0x3FC2] =	sst s2  }
0x8f: {  	_ = 	snop  }
0x90: {  	(tm) =	ssettm $0x1  }
0x91: {  	s17 =	sld [smem:$0x3FFB];
	_ =	sdelay $0x3  }
0x92: {  	_ =	strace s17  }
0x93: {  	s2 =	sld [smem:$0x3FFC];
	_ =	sdelay $0x3  }
0x94: {  	_ =	strace s2  }
0x95: {  	s2 =	sld [smem:$0x3FFD];
	_ =	sdelay $0x3  }
0x96: {  	_ =	strace s2  }
0x97: {  	_ =	strace $0x8FFFFFFF  }
0x98: {  	s18 =	sld [smem:$0x3FDB];
	_ =	sdelay $0x1  }
0x99: {  	s19 =	simm.s32 $_scs_section_size  }
0x9a: {  	s4 =	simm.s32 $_size__tile_overlayer_lowered;
	s5 =	simm.s32 $_tile_overlayer_lowered  }
0x9b: {  	s22 =	simm.s32 $0x1BFF;
	s21 =	sshll.u32 s5, $0x1;
	s2 =	sadd.s32 s19, s18  }
0x9c: {  	s6 =	simm.s32 $0x0;
	s20 =	sshll.u32 s4, $0x1;
	s4 =	sadd.s32 s21, s2  }
0x9d: {  	[timem:s6], [sflag:s22] =	dma.local [hbm:s4], s20  }
0x9e: {  	_ =	swait.ge [sflag:s22], s20  }
0x9f: {  	s3 =	ssub.s32 $0x0, s20;
	[sflag:s22] =	ssyncset.done $0x0  }
0xa0: {  	[sflag:s22] =	ssyncadd.s32 s3;
	_ =	sdelay $0x1  }
0xa1: {  	s23 =	simm.s32 $0x1B8B  }
0xa2: {  	_ =	swait.ge [sflag:s23], $0x1  }
0xa3: {  	[sflag:s23] =	ssyncset.done $0x0  }
0xa4: {  	s25 =	simm.s32 $0x1B8E;
	s24 =	sld [smem:$0x3FFE];
	[sflag:s23] =	ssyncadd.s32 $0xFFFFFFFF  }
0xa5: {  	s26 =	simm.s32 $execute0_lowered;
	[smem:$0x3FD2] =	sst s25  }
0xa6: {  	s4 =	sshll.u32 s26, $0x1;
	_ =	strace $0x80000046;
	[dreg:$0x1] =	wrdreg $0xFFFFFFFF  }
0xa7: {  	s28 =	simm.s32 $_size_execute0_lowered;
	s2 =	sadd.s32 s2, s4;
	[dreg:$0x0] =	wrdreg $0x0  }
0xa8: {  	s4 =	sshll.u32 s28, $0x1;
	[dreg:$0x2] =	wrdreg s2  }
0xa9: {  	[dreg:$0x3] =	wrdreg s4  }
0xaa: {  	[dreg:$0x4] =	wrdreg $0xC0  }
0xab: {  	_ =	task [dreg:s6], $0x5FFFF  }
0xac: {  	[dreg:$0x1] =	wrdreg $0xFFFFFFFF  }
0xad: {  	[dreg:$0x0] =	wrdreg $0x60  }
0xae: {  	[dreg:$0x2] =	wrdreg s24  }
0xaf: {  	[dreg:$0x3] =	wrdreg $0x50000  }
0xb0: {  	[dreg:$0x4] =	wrdreg $0x9  }
0xb1: {  	_ =	task.clear_ibuf [dreg:s6], $0x5FFFF;
	_ =	strace $0x90000046  }
0xb2: {  	s29 =	simm.s32 $0x9;
	_ =	strace $0x80000048  }
0xb3: {  	_ =	swait.ge [sflag:s29], $0x1  }
0xb4: {  	[sflag:s29] =	ssyncadd.s32 $0xFFFFFFFF  }
0xb5: {  	_ =	strace $0x90000048  }
0xb6: {  	_ =	sfence  }
0xb7: {  	s30 =	sld [smem:$0x0];
	_ =	sdelay $0x2  }
0xb8: {  	s31 =	sshll.u32 s1, $0xD;
	s1 =	sshrl.u32 s1, $0x2  }
0xb9: {  	s3 =	sand.u32 $0x4000, s31;
	s1 =	sadd.s32 s1, s30  }
0xba: {  	s0 =	sor.u32 s3, s0;
	s1 =	sshll.u32 s1, $0x11  }
0xbb: {  	s0 =	sor.u32 s1, s0  }
0xbc: {  	s0 =	sadd.s32 $0x8F2B, s0  }
0xbd: {  	[sflag:s0] =	ssyncadd.remote.s32 $0x1  }
0xbe: {  	_ =	sfence.sel $0xFFFF  }
0xbf: {  	[dreg:$0x0] =	wrdreg $0xFFFFFFFF;
	(pc) =	sbr.abs _section_cstart, $3  }
0xc0: {  	[dreg:$0x1] =	wrdreg $0xFFFFFFFF  }
0xc1: {  	_ =	task.clear_ibuf [dreg:s6], $0x2FFFF;
	_ =	strace $0x9FFFFFFF  }
0xc2: {  	(tm) =	ssettm $0x7FFFFFFF  }
0xc3: {  	_ =	shalt  }
tec
execute0_lowered:
.L_overlay_start_1:
0x0: {  	(tag) =	ssettag $0x1  }
0x1: {  	s0 =	srdreg.scid;
	s5 =	rddreg [dreg:$0x0]  }
0x2: {  	s8 =	stileid.u32;
	s1 =	rddreg [dreg:$0x1]  }
0x3: {  	s11 =	simm.s32 $0x2780;
	s12 =	simm.s32 $0x80;
	s13 =	simm.s32 $0x400  }
0x4: {  	s14 =	simm.s32 $0x50;
	s15 =	simm.s32 $0x0;
	s3 =	sand.u32 $0x1, s0  }
0x5: {  	s6 =	sshll.u32 s8, $0x7;
	p0 =	sne.s32 s8, $0x0;
	s0 =	sshll.u32 s3, $0x4  }
0x6: {  	s6 =	sand.u32 $0x380, s6;
	s31 =	smul.u32 $0x500, s3;
	s2 =	sor.u32 s8, s0  }
0x7: {  	s7 =	ssub.s32 $0x2, s3;
	s3 =	sadd.s32 $0xC800, s5;
	s4 =	sshrl.u32 s2, $0x3  }
0x8: {  	s0 =	rddreg [dreg:$0x2];
	s10 =	sshrl.u32 s7, $0x1;
	s4 =	smul.u32 $0x13C00, s4  }
0x9: {  	s8 =	simm.s32 $0x2800;
	s2 =	simm.s32 $0x0;
	s7 =	ssub.s32 s7, s10  }
0xa: {  	s10 =	sshrl.u32 @!p0 s1, $0x3;
	[smem:$0x7FF] =	sst s2;
	s4 =	sor.u32 s6, s4  }
0xb: {  	s7 =	smax.u32 s7, $0x1;
	s6 =	sadd.s32 s31, s5;
	s4 =	sshrl.u32 s4, $0x3  }
0xc: {  	_ =	strace $0x80000047;
	s6 =	sadd.s32 $0xD000, s6;
	s9 =	sadd.s32 s4, s5  }
0xd: {  	v0 =	vimm.f32 $1.000000000e+00;
	s4 =	sadd.s32 $0xCA00, s5;
	s5 =	sadd.s32 $0x2A00, s9;
	s9 =	simm.s32 $0x1  }
.LBB2_1:
0xe: {  	[tilespmem:s8], [sflag:$0x1] =	stream.linear.gather [hbm4b:s4+s2], $0x2800, $0x38;
	[tilespmem:$0x5280] =	vst v63  }
0xf: {  	_ =	swait.ge [sflag:s9], $0x2800  }
0x10: {  	[sflag:s9] =	ssyncset.done $0x0  }
0x11: {  	s16 =	simm.s32 @!p0 $0x1C01;
	[sflag:s9] =	ssyncadd.s32 $0xFFFFD800  }
0x12: {  	[spmem:s10], [sflag:s16] =	dma.local @!p0 [hbm:s4], $0x500  }
0x13: {  	s16 =	simm.s32 @!p0 $0x1  }
0x14: {  	_ =	swait.ge @!p0 [sflag:s16], $0x500  }
0x15: {  	[sflag:s16] =	ssyncset.done @!p0 $0x0  }
0x16: {  	[sflag:s16] =	ssyncadd.s32 @!p0 $0xFFFFFB00  }
0x17: {  	[tilespmem:s11], [sflag:$0x1] =	stream.linear.gather [hbm4b:s3+s2], $0x80, $0x38;
	[tilespmem:$0x5280] =	vst v63  }
0x18: {  	_ =	swait.ge [sflag:s9], $0x80  }
0x19: {  	[sflag:s9] =	ssyncset.done $0x0  }
0x1a: {  	[sflag:s9] =	ssyncadd.s32 $0xFFFFFF80  }
0x1b: {  	[tilespmem:s2], [sflag:$0x1] =	stream.strided.gather [hbm4b:s5+s12], $0x2780, s13, s12, $0x38;
	[tilespmem:$0x5280] =	vst v63  }
0x1c: {  	_ =	swait.ge [sflag:s9], $0x2780  }
0x1d: {  	[sflag:s9] =	ssyncset.done $0x0  }
0x1e: {  	s17 =	simm.s32 $0x0;
	s16 =	simm.s32 $0x40;
	[sflag:s9] =	ssyncadd.s32 $0xFFFFD880  }
.LBB2_2:
0x1f: {  	p1 =	sne.s32 s16, $0x9C00;
	v1 =	vld [tilespmem:s17+$0x0];
	_ =	sdelay $0x3  }
.Ltmp0:
0x20: {  	(pc) =	sbr.rel @p1 .LBB2_2-.Ltmp0, $2  }
0x21: {  	_ =	sdelay $0x2  }
0x22: {  	s17 =	sshra.s32 s16, $0x2;
	s16 =	sadd.s32 $0x40, s16;
	[tilespmem:v1+s8+$0x0] =	vst.idx.add.f32.msk $0xffff, v0  }
0x23: {  	v1 =	vld [tilespmem:s17+$0x0];
	_ =	sdelay $0x7  }
0x24: {  	[tilespmem:v1+s8+$0x0] =	vst.idx.add.f32.msk $0xffff, v0  }
0x25: {  	[bflag:$0x0] =	sbarrier.arrive $0xFFFF  }
0x26: {  	[spmem:s1] =	stream.indirect.scatter.add.f32 [tilespmem:s8], [sflag:$0x1], $0x80, s11, s14, $0xb8;
	[tilespmem:$0x5280] =	vst v63  }
0x27: {  	_ =	swait.ge [sflag:s9], $0x2800  }
0x28: {  	[sflag:s9] =	ssyncset.done $0x0  }
0x29: {  	s15 =	sadd.s32 $0x1, s15;
	[sflag:s9] =	ssyncadd.s32 $0xFFFFD800  }
0x2a: {  	s16 =	simm.s32 @!p0 $0x1C01;
	p1 =	sne.s32 s15, s7;
	[bflag:$0x0] =	sbarrier.arrive $0xFFFF  }
0x2b: {  	[hbm:s6], [sflag:s16] =	dma.local @!p0 [spmem:s10], $0x500  }
.Ltmp1:
0x2c: {  	_ = 	snop;
	(pc) =	sbr.rel @p1 .LBB2_1-.Ltmp1, $4  }
0x2d: {  	s16 =	simm.s32 @!p0 $0x1  }
0x2e: {  	_ =	swait.ge @!p0 [sflag:s16], $0x500  }
0x2f: {  	[sflag:s16] =	ssyncset.done @!p0 $0x0  }
0x30: {  	[sflag:s16] =	ssyncadd.s32 @!p0 $0xFFFFFB00  }
0x31: {  	_ =	sfence.sel $0x180000  }
0x32: {  	[bflag:$0x0] =	sbarrier.arrive $0xFFFF  }
0x33: {  	_ =	strace $0x90000047  }
0x34: {  	s0 =	sadd.s32 @!p0 $0x100000, s0;
	[bflag:$0x2] =	sbarrier.arrive $0xFFFF  }
0x35: {  	[sflag:s0] =	ssyncadd.tile.s32 @!p0 $0x1;
	_ =	shalt  }
.Lfunc_end2:
_tile_overlayer_lowered:
.L_overlay_start_2:
0x36: {  	(tag) =	ssettag $0x2  }
0x37: {  	s0 =	rddreg [dreg:$0x0];
	s2 =	stileid.u32  }
0x38: {  	s1 =	rddreg [dreg:$0x1];
	p0 =	sne.s32 s2, $0x0  }
0x39: {  	s3 =	rddreg [dreg:$0x2];
	[bflag:$0x3] =	sbarrier.arrive $0xFFFF;
	s2 =	simm.s32 @!p0 $0x1C01  }
0x3a: {  	[timem:s3], [sflag:s2] =	dma.local @!p0 [hbm:s0], s1  }
0x3b: {  	s0 =	simm.s32 @!p0 $0x1  }
0x3c: {  	_ =	swait.ge @!p0 [sflag:s0], s1  }
0x3d: {  	s1 =	ssub.s32 @!p0 $0x0, s1;
	[sflag:s0] =	ssyncset.done @!p0 $0x0  }
0x3e: {  	[sflag:s0] =	ssyncadd.s32 @!p0 s1  }
0x3f: {  	[bflag:$0x3] =	sbarrier.arrive $0xFFFF  }
0x40: {  	_ =	shalt  }

</sc_bundles>
